<compile_context>
chip_gen: v7x
topology: tpu7x:2x2x1
jax: 0.10.2.dev20260603
libtpu: 0.0.44.dev20260713+nightly
codegen_flags: <defaults>
</compile_context>

<pallas_src>
import jax
import jax.numpy as jnp
from jax import lax
from jax.experimental import pallas as pl
from jax.experimental.pallas import tpu as pltpu
from jax.experimental.pallas import tpu_sc as plsc

SIG_LEN = 4096
MASK_LEN = 2048
SIGMA = 0.1
N_SHIFTS = 16384

LANES = 16
NUM_CORES = 2
NUM_SUBCORES = 16
NUM_WORKERS = NUM_CORES * NUM_SUBCORES
ROWS_PER_WORKER = N_SHIFTS // NUM_WORKERS
ROW_CHUNK = 4
NUM_CHUNKS = ROWS_PER_WORKER // ROW_CHUNK
NBUF_IN = 4
NBUF_OUT = 4


def _sc_body(sig_hbm, shifts_hbm, noise_hbm, out_hbm, sig2_v, shifts_v, nbuf,
             obuf, sem_in0, sem_in1, sem_in2, sem_in3, sem_out0, sem_out1, sem_out2, sem_out3):
    wid = lax.axis_index("s") * NUM_CORES + lax.axis_index("c")
    base_row = wid * ROWS_PER_WORKER
    sems_in = (sem_in0, sem_in1, sem_in2, sem_in3)
    sems_out = (sem_out0, sem_out1, sem_out2, sem_out3)

    def noise_slice(c):
        return noise_hbm.at[pl.ds(base_row + c * ROW_CHUNK, ROW_CHUNK)]

    def out_slice(c):
        return out_hbm.at[pl.ds(base_row + c * ROW_CHUNK, ROW_CHUNK)]

    for c in range(NBUF_IN - 1):
        pltpu.async_copy(noise_slice(c), nbuf.at[c], sems_in[c])

    pltpu.sync_copy(sig_hbm, sig2_v.at[pl.ds(0, SIG_LEN)])
    pltpu.sync_copy(sig_hbm, sig2_v.at[pl.ds(SIG_LEN, SIG_LEN)])
    pltpu.sync_copy(
        shifts_hbm.at[pl.ds(base_row, ROWS_PER_WORKER)],
        shifts_v.at[pl.ds(0, ROWS_PER_WORKER)],
    )

    def outer(c4, carry):
        for bi in range(NBUF_IN):
            c = c4 * NBUF_IN + bi
            bo = bi % NBUF_OUT

            @pl.when(c + NBUF_IN - 1 < NUM_CHUNKS)
            def _start_next():
                nxt = (bi + NBUF_IN - 1) % NBUF_IN
                pltpu.async_copy(noise_slice(c + NBUF_IN - 1), nbuf.at[nxt],
                                 sems_in[nxt])

            pltpu.make_async_copy(noise_slice(c), nbuf.at[bi], sems_in[bi]).wait()

            @pl.when(c >= NBUF_OUT)
            def _wait_out():
                pltpu.make_async_copy(obuf.at[bo], out_slice(c), sems_out[bo]).wait()

            sv = shifts_v[pl.ds(c * ROW_CHUNK, LANES)]
            for r in range(ROW_CHUNK):
                shift = sv[r]

                @plsc.parallel_loop(0, MASK_LEN, LANES, unroll=8)
                def j_body(off, bi=bi, bo=bo, r=r, shift=shift):
                    w = sig2_v[pl.ds(shift + off, LANES)]
                    n = nbuf[bi, r, pl.ds(off, LANES)]
                    obuf[bo, r, pl.ds(off, LANES)] = w + SIGMA * n
            pltpu.async_copy(obuf.at[bo], out_slice(c), sems_out[bo])
        return carry

    lax.fori_loop(0, NUM_CHUNKS // NBUF_IN, outer, 0)
    for b in range(NBUF_OUT):
        pltpu.make_async_copy(
            obuf.at[b], out_slice(NUM_CHUNKS - NBUF_OUT + b), sems_out[b]
        ).wait()


@jax.jit
def kernel(sig, shifts, noise):
    mesh = plsc.VectorSubcoreMesh(
        core_axis_name="c", subcore_axis_name="s",
        num_cores=NUM_CORES, num_subcores=NUM_SUBCORES,
    )
    run = pl.kernel(
        _sc_body,
        out_type=jax.ShapeDtypeStruct((N_SHIFTS, MASK_LEN), jnp.float32),
        mesh=mesh,
        scratch_types=[
            pltpu.VMEM((2 * SIG_LEN,), jnp.float32),
            pltpu.VMEM((ROWS_PER_WORKER + LANES,), jnp.int32),
            pltpu.VMEM((NBUF_IN, ROW_CHUNK, MASK_LEN), jnp.float32),
            pltpu.VMEM((NBUF_OUT, ROW_CHUNK, MASK_LEN), jnp.float32),
            pltpu.SemaphoreType.DMA,
            pltpu.SemaphoreType.DMA,
            pltpu.SemaphoreType.DMA,
            pltpu.SemaphoreType.DMA,
            pltpu.SemaphoreType.DMA,
            pltpu.SemaphoreType.DMA,
            pltpu.SemaphoreType.DMA,
            pltpu.SemaphoreType.DMA,
        ],
    )
    return run(sig, shifts.astype(jnp.int32), noise)

# --- scband reference (transcript-rebuilt; emitter-appended) ---
"""Pipeline reference for scband-signal-class-29532195127936 (READ-ONLY COPY).

The authoritative reference and input builder live on the scoring server;
editing this copy changes nothing except your own understanding.
"""

import jax, jax.numpy as jnp
import numpy as np

SIG_LEN = 4096
MASK_LEN = 2048
SIGMA = 0.1
N_SHIFTS = 16384


def setup_inputs(seed: int = 0) -> dict:
    key = jax.random.key(seed)
    k1, k2, k3 = jax.random.split(key, 3)
    # learned parameter: signal, init per torch module ((rand-0.5)*1.0)
    sig = (jax.random.uniform(k1, (SIG_LEN,), dtype=jnp.float32) - 0.5) * 1.0
    shifts = jax.random.randint(k2, (N_SHIFTS,), 0, SIG_LEN, dtype=jnp.int64)
    # deterministic Gaussian measurement noise (stands in for the stochastic
    # noise inside meas_gen_shifts_tensor; scaled by sigma in reference)
    noise = jax.random.normal(k3, (N_SHIFTS, MASK_LEN), dtype=jnp.float32)
    return {"sig": sig, "shifts": shifts, "noise": noise}


def reference(sig, shifts, noise):
    # meas_gen_shifts_tensor: for each shift s, take a circularly-shifted,
    # mask_len-long window of the signal and add sigma-scaled Gaussian noise.
    # y[i, j] = sig[(shifts[i] + j) mod sig_len] + sigma * noise[i, j]
    idx = (shifts[:, None] + jnp.arange(MASK_LEN, dtype=shifts.dtype)[None, :]) % SIG_LEN
    y = jnp.take(sig, idx, axis=0) + SIGMA * noise
    return y.astype(jnp.float32)

if __name__ == "__main__":
    import jax
    _d = setup_inputs()
    print(jax.jit(kernel)(*tuple(_d.values())))

</pallas_src>

<mosaic_0001>
#map = affine_map<(d0, d1) -> (0)>
#map1 = affine_map<(d0, d1) -> (0, 0)>
module attributes {stable_mosaic.version = 14 : i64} {
  func.func @_sc_body(%arg0: i32, %arg1: i32, %arg2: memref<4096xf32, #tpu.memory_space<hbm>>, %arg3: memref<16384xi32, #tpu.memory_space<hbm>>, %arg4: memref<16384x2048xf32, #tpu.memory_space<hbm>>, %arg5: memref<16384x2048xf32, #tpu.memory_space<hbm>>, %arg6: memref<8192xf32, #tpu.memory_space<vmem>>, %arg7: memref<528xi32, #tpu.memory_space<vmem>>, %arg8: memref<4x4x2048xf32, #tpu.memory_space<vmem>>, %arg9: memref<4x4x2048xf32, #tpu.memory_space<vmem>>, %arg10: memref<!tpu.dma_semaphore, #tpu.memory_space<semaphore_mem>>, %arg11: memref<!tpu.dma_semaphore, #tpu.memory_space<semaphore_mem>>, %arg12: memref<!tpu.dma_semaphore, #tpu.memory_space<semaphore_mem>>, %arg13: memref<!tpu.dma_semaphore, #tpu.memory_space<semaphore_mem>>, %arg14: memref<!tpu.dma_semaphore, #tpu.memory_space<semaphore_mem>>, %arg15: memref<!tpu.dma_semaphore, #tpu.memory_space<semaphore_mem>>, %arg16: memref<!tpu.dma_semaphore, #tpu.memory_space<semaphore_mem>>, %arg17: memref<!tpu.dma_semaphore, #tpu.memory_space<semaphore_mem>>) attributes {dimension_semantics = [#tpu.dimension_semantics<core_parallel>, #tpu.dimension_semantics<subcore_parallel>], iteration_bounds = array<i64: 2, 16>, scalar_prefetch = 0 : i64, scratch_operands = 12 : i64, tpu.core_type = #tpu.core_type<sc_vector_subcore>, window_params = [{transform_indices = #map}, {transform_indices = #map}, {transform_indices = #map1}, {transform_indices = #map1}]} {
    %mul3A = arith.constant 2 : i32
    %mul3A_0 = arith.muli %arg1, %mul3A : i32
    %add3A = arith.addi %mul3A_0, %arg0 : i32
    %mul3A_1 = arith.constant 512 : i32
    %mul3A_2 = arith.muli %add3A, %mul3A_1 : i32
    %add3A_3 = arith.constant 0 : i32
    %add3A_4 = arith.addi %mul3A_2, %add3A_3 : i32
    %dma_start3A = arith.constant 0 : i32
    %dma_start3A_5 = arith.constant 0 : i32
    %dma_start3A_6 = arith.constant 0 : i32
    %dma_start3A_7 = tpu.memref_slice %arg8[%dma_start3A, %dma_start3A_5, %dma_start3A_6] : memref<4x4x2048xf32, #tpu.memory_space<vmem>> -> memref<1x4x2048xf32, #tpu.memory_space<vmem>>
    %dma_start3A_8 = tpu.memref_squeeze %dma_start3A_7 : memref<1x4x2048xf32, #tpu.memory_space<vmem>> -> memref<4x2048xf32, #tpu.memory_space<vmem>>
    %dma_start3A_9 = arith.constant 0 : i32
    %dma_start3A_10 = tpu.memref_slice %arg4[%add3A_4, %dma_start3A_9] : memref<16384x2048xf32, #tpu.memory_space<hbm>> -> memref<4x2048xf32, #tpu.memory_space<hbm>>
    %dma_start3A_11 = arith.constant 0 : i32
    %dma_start3A_12 = arith.constant 0 : i32
    %dma_start3A_13 = tpu.memref_slice %arg8[%dma_start3A, %dma_start3A_11, %dma_start3A_12] : memref<4x4x2048xf32, #tpu.memory_space<vmem>> -> memref<1x4x2048xf32, #tpu.memory_space<vmem>>
    %dma_start3A_14 = tpu.memref_squeeze %dma_start3A_13 : memref<1x4x2048xf32, #tpu.memory_space<vmem>> -> memref<4x2048xf32, #tpu.memory_space<vmem>>
    %dma_start3A_15 = arith.constant 0 : i32
    %dma_start3A_16 = tpu.memref_slice %arg4[%add3A_4, %dma_start3A_15] : memref<16384x2048xf32, #tpu.memory_space<hbm>> -> memref<4x2048xf32, #tpu.memory_space<hbm>>
    tpu.enqueue_dma source(%dma_start3A_16 : memref<4x2048xf32, #tpu.memory_space<hbm>>) target(%dma_start3A_14 : memref<4x2048xf32, #tpu.memory_space<vmem>>) target_semaphore(%arg10 : memref<!tpu.dma_semaphore, #tpu.memory_space<semaphore_mem>>)
    %add3A_17 = arith.constant 4 : i32
    %add3A_18 = arith.addi %mul3A_2, %add3A_17 : i32
    %dma_start3A_19 = arith.constant 1 : i32
    %dma_start3A_20 = arith.constant 0 : i32
    %dma_start3A_21 = arith.constant 0 : i32
    %dma_start3A_22 = tpu.memref_slice %arg8[%dma_start3A_19, %dma_start3A_20, %dma_start3A_21] : memref<4x4x2048xf32, #tpu.memory_space<vmem>> -> memref<1x4x2048xf32, #tpu.memory_space<vmem>>
    %dma_start3A_23 = tpu.memref_squeeze %dma_start3A_22 : memref<1x4x2048xf32, #tpu.memory_space<vmem>> -> memref<4x2048xf32, #tpu.memory_space<vmem>>
    %dma_start3A_24 = arith.constant 0 : i32
    %dma_start3A_25 = tpu.memref_slice %arg4[%add3A_18, %dma_start3A_24] : memref<16384x2048xf32, #tpu.memory_space<hbm>> -> memref<4x2048xf32, #tpu.memory_space<hbm>>
    %dma_start3A_26 = arith.constant 0 : i32
    %dma_start3A_27 = arith.constant 0 : i32
    %dma_start3A_28 = tpu.memref_slice %arg8[%dma_start3A_19, %dma_start3A_26, %dma_start3A_27] : memref<4x4x2048xf32, #tpu.memory_space<vmem>> -> memref<1x4x2048xf32, #tpu.memory_space<vmem>>
    %dma_start3A_29 = tpu.memref_squeeze %dma_start3A_28 : memref<1x4x2048xf32, #tpu.memory_space<vmem>> -> memref<4x2048xf32, #tpu.memory_space<vmem>>
    %dma_start3A_30 = arith.constant 0 : i32
    %dma_start3A_31 = tpu.memref_slice %arg4[%add3A_18, %dma_start3A_30] : memref<16384x2048xf32, #tpu.memory_space<hbm>> -> memref<4x2048xf32, #tpu.memory_space<hbm>>
    tpu.enqueue_dma source(%dma_start3A_31 : memref<4x2048xf32, #tpu.memory_space<hbm>>) target(%dma_start3A_29 : memref<4x2048xf32, #tpu.memory_space<vmem>>) target_semaphore(%arg11 : memref<!tpu.dma_semaphore, #tpu.memory_space<semaphore_mem>>)
    %add3A_32 = arith.constant 8 : i32
    %add3A_33 = arith.addi %mul3A_2, %add3A_32 : i32
    %dma_start3A_34 = arith.constant 2 : i32
    %dma_start3A_35 = arith.constant 0 : i32
    %dma_start3A_36 = arith.constant 0 : i32
    %dma_start3A_37 = tpu.memref_slice %arg8[%dma_start3A_34, %dma_start3A_35, %dma_start3A_36] : memref<4x4x2048xf32, #tpu.memory_space<vmem>> -> memref<1x4x2048xf32, #tpu.memory_space<vmem>>
    %dma_start3A_38 = tpu.memref_squeeze %dma_start3A_37 : memref<1x4x2048xf32, #tpu.memory_space<vmem>> -> memref<4x2048xf32, #tpu.memory_space<vmem>>
    %dma_start3A_39 = arith.constant 0 : i32
    %dma_start3A_40 = tpu.memref_slice %arg4[%add3A_33, %dma_start3A_39] : memref<16384x2048xf32, #tpu.memory_space<hbm>> -> memref<4x2048xf32, #tpu.memory_space<hbm>>
    %dma_start3A_41 = arith.constant 0 : i32
    %dma_start3A_42 = arith.constant 0 : i32
    %dma_start3A_43 = tpu.memref_slice %arg8[%dma_start3A_34, %dma_start3A_41, %dma_start3A_42] : memref<4x4x2048xf32, #tpu.memory_space<vmem>> -> memref<1x4x2048xf32, #tpu.memory_space<vmem>>
    %dma_start3A_44 = tpu.memref_squeeze %dma_start3A_43 : memref<1x4x2048xf32, #tpu.memory_space<vmem>> -> memref<4x2048xf32, #tpu.memory_space<vmem>>
    %dma_start3A_45 = arith.constant 0 : i32
    %dma_start3A_46 = tpu.memref_slice %arg4[%add3A_33, %dma_start3A_45] : memref<16384x2048xf32, #tpu.memory_space<hbm>> -> memref<4x2048xf32, #tpu.memory_space<hbm>>
    tpu.enqueue_dma source(%dma_start3A_46 : memref<4x2048xf32, #tpu.memory_space<hbm>>) target(%dma_start3A_44 : memref<4x2048xf32, #tpu.memory_space<vmem>>) target_semaphore(%arg12 : memref<!tpu.dma_semaphore, #tpu.memory_space<semaphore_mem>>)
    "tpu.region"() ({
      %run_scoped3A = tpu.sem_alloc : memref<!tpu.dma_semaphore, #tpu.memory_space<semaphore_mem>>
      %dma_start3A_111 = arith.constant 0 : i32
      %dma_start3A_112 = tpu.memref_slice %arg6[%dma_start3A_111] : memref<8192xf32, #tpu.memory_space<vmem>> -> memref<4096xf32, #tpu.memory_space<vmem>>
      %dma_start3A_113 = arith.constant 0 : i32
      %dma_start3A_114 = tpu.memref_slice %arg6[%dma_start3A_113] : memref<8192xf32, #tpu.memory_space<vmem>> -> memref<4096xf32, #tpu.memory_space<vmem>>
      tpu.enqueue_dma source(%arg2 : memref<4096xf32, #tpu.memory_space<hbm>>) target(%dma_start3A_114 : memref<4096xf32, #tpu.memory_space<vmem>>) target_semaphore(%run_scoped3A : memref<!tpu.dma_semaphore, #tpu.memory_space<semaphore_mem>>)
      %dma_wait3A_115 = arith.constant 0 : i32
      %dma_wait3A_116 = tpu.memref_slice %arg6[%dma_wait3A_115] : memref<8192xf32, #tpu.memory_space<vmem>> -> memref<4096xf32, #tpu.memory_space<vmem>>
      %dma_wait3A_117 = arith.constant 0 : i32
      %dma_wait3A_118 = tpu.memref_slice %arg6[%dma_wait3A_117] : memref<8192xf32, #tpu.memory_space<vmem>> -> memref<4096xf32, #tpu.memory_space<vmem>>
      tpu.wait_dma2 semaphore(%run_scoped3A : memref<!tpu.dma_semaphore, #tpu.memory_space<semaphore_mem>>) src(%arg2 : memref<4096xf32, #tpu.memory_space<hbm>>) dst(%dma_wait3A_118 : memref<4096xf32, #tpu.memory_space<vmem>>)
      tpu.yield
    }) : () -> ()
    "tpu.region"() ({
      %run_scoped3A = tpu.sem_alloc : memref<!tpu.dma_semaphore, #tpu.memory_space<semaphore_mem>>
      %dma_start3A_111 = arith.constant 4096 : i32
      %dma_start3A_112 = tpu.memref_slice %arg6[%dma_start3A_111] : memref<8192xf32, #tpu.memory_space<vmem>> -> memref<4096xf32, #tpu.memory_space<vmem>>
      %dma_start3A_113 = arith.constant 4096 : i32
      %dma_start3A_114 = tpu.memref_slice %arg6[%dma_start3A_113] : memref<8192xf32, #tpu.memory_space<vmem>> -> memref<4096xf32, #tpu.memory_space<vmem>>
      tpu.enqueue_dma source(%arg2 : memref<4096xf32, #tpu.memory_space<hbm>>) target(%dma_start3A_114 : memref<4096xf32, #tpu.memory_space<vmem>>) target_semaphore(%run_scoped3A : memref<!tpu.dma_semaphore, #tpu.memory_space<semaphore_mem>>)
      %dma_wait3A_115 = arith.constant 4096 : i32
      %dma_wait3A_116 = tpu.memref_slice %arg6[%dma_wait3A_115] : memref<8192xf32, #tpu.memory_space<vmem>> -> memref<4096xf32, #tpu.memory_space<vmem>>
      %dma_wait3A_117 = arith.constant 4096 : i32
      %dma_wait3A_118 = tpu.memref_slice %arg6[%dma_wait3A_117] : memref<8192xf32, #tpu.memory_space<vmem>> -> memref<4096xf32, #tpu.memory_space<vmem>>
      tpu.wait_dma2 semaphore(%run_scoped3A : memref<!tpu.dma_semaphore, #tpu.memory_space<semaphore_mem>>) src(%arg2 : memref<4096xf32, #tpu.memory_space<hbm>>) dst(%dma_wait3A_118 : memref<4096xf32, #tpu.memory_space<vmem>>)
      tpu.yield
    }) : () -> ()
    "tpu.region"() ({
      %run_scoped3A = tpu.sem_alloc : memref<!tpu.dma_semaphore, #tpu.memory_space<semaphore_mem>>
      %dma_start3A_111 = arith.constant 0 : i32
      %dma_start3A_112 = tpu.memref_slice %arg7[%dma_start3A_111] : memref<528xi32, #tpu.memory_space<vmem>> -> memref<512xi32, #tpu.memory_space<vmem>>
      %dma_start3A_113 = tpu.memref_slice %arg3[%mul3A_2] : memref<16384xi32, #tpu.memory_space<hbm>> -> memref<512xi32, #tpu.memory_space<hbm>>
      %dma_start3A_114 = arith.constant 0 : i32
      %dma_start3A_115 = tpu.memref_slice %arg7[%dma_start3A_114] : memref<528xi32, #tpu.memory_space<vmem>> -> memref<512xi32, #tpu.memory_space<vmem>>
      %dma_start3A_116 = tpu.memref_slice %arg3[%mul3A_2] : memref<16384xi32, #tpu.memory_space<hbm>> -> memref<512xi32, #tpu.memory_space<hbm>>
      tpu.enqueue_dma source(%dma_start3A_116 : memref<512xi32, #tpu.memory_space<hbm>>) target(%dma_start3A_115 : memref<512xi32, #tpu.memory_space<vmem>>) target_semaphore(%run_scoped3A : memref<!tpu.dma_semaphore, #tpu.memory_space<semaphore_mem>>)
      %dma_wait3A_117 = arith.constant 0 : i32
      %dma_wait3A_118 = tpu.memref_slice %arg7[%dma_wait3A_117] : memref<528xi32, #tpu.memory_space<vmem>> -> memref<512xi32, #tpu.memory_space<vmem>>
      %dma_wait3A_119 = tpu.memref_slice %arg3[%mul3A_2] : memref<16384xi32, #tpu.memory_space<hbm>> -> memref<512xi32, #tpu.memory_space<hbm>>
      %dma_wait3A_120 = arith.constant 0 : i32
      %dma_wait3A_121 = tpu.memref_slice %arg7[%dma_wait3A_120] : memref<528xi32, #tpu.memory_space<vmem>> -> memref<512xi32, #tpu.memory_space<vmem>>
      %dma_wait3A_122 = tpu.memref_slice %arg3[%mul3A_2] : memref<16384xi32, #tpu.memory_space<hbm>> -> memref<512xi32, #tpu.memory_space<hbm>>
      tpu.wait_dma2 semaphore(%run_scoped3A : memref<!tpu.dma_semaphore, #tpu.memory_space<semaphore_mem>>) src(%dma_wait3A_122 : memref<512xi32, #tpu.memory_space<hbm>>) dst(%dma_wait3A_121 : memref<512xi32, #tpu.memory_space<vmem>>)
      tpu.yield
    }) : () -> ()
    %scan3A = arith.constant 0 : i32
    %scan3A_47 = arith.constant 0 : i32
    %scan3A_48 = arith.constant 32 : i32
    %scan3A_49 = arith.addi %scan3A_47, %scan3A_48 : i32
    %scan3A_50 = arith.constant 1 : i32
    scf.for %scan3A_111 = %scan3A_47 to %scan3A_49 step %scan3A_50  : i32 {
      %mul3A_112 = arith.constant 4 : i32
      %mul3A_113 = arith.muli %scan3A_111, %mul3A_112 : i32
      %add3A_114 = arith.constant 0 : i32
      %add3A_115 = arith.addi %mul3A_113, %add3A_114 : i32
      %add3A_116 = arith.constant 4 : i32
      %add3A_117 = arith.addi %add3A_115, %add3A_116 : i32
      %sub3A = arith.constant 1 : i32
      %sub3A_118 = arith.subi %add3A_117, %sub3A : i32
      %lt3A = arith.constant 128 : i32
      %lt3A_119 = arith.cmpi slt, %sub3A_118, %lt3A : i32
      %convert_element_type3A = arith.extui %lt3A_119 : i1 to i32
      %cond3A = arith.constant 0 : i32
      %cond3A_120 = arith.cmpi ne, %convert_element_type3A, %cond3A : i32
      scf.if %cond3A_120 {
        %add3A_403 = arith.constant 4 : i32
        %add3A_404 = arith.addi %add3A_115, %add3A_403 : i32
        %sub3A_405 = arith.constant 1 : i32
        %sub3A_406 = arith.subi %add3A_404, %sub3A_405 : i32
        %mul3A_407 = arith.constant 4 : i32
        %mul3A_408 = arith.muli %sub3A_406, %mul3A_407 : i32
        %add3A_409 = arith.addi %mul3A_2, %mul3A_408 : i32
        %dma_start3A_410 = arith.constant 3 : i32
        %dma_start3A_411 = arith.constant 0 : i32
        %dma_start3A_412 = arith.constant 0 : i32
        %dma_start3A_413 = tpu.memref_slice %arg8[%dma_start3A_410, %dma_start3A_411, %dma_start3A_412] : memref<4x4x2048xf32, #tpu.memory_space<vmem>> -> memref<1x4x2048xf32, #tpu.memory_space<vmem>>
        %dma_start3A_414 = tpu.memref_squeeze %dma_start3A_413 : memref<1x4x2048xf32, #tpu.memory_space<vmem>> -> memref<4x2048xf32, #tpu.memory_space<vmem>>
        %dma_start3A_415 = arith.constant 0 : i32
        %dma_start3A_416 = tpu.memref_slice %arg4[%add3A_409, %dma_start3A_415] : memref<16384x2048xf32, #tpu.memory_space<hbm>> -> memref<4x2048xf32, #tpu.memory_space<hbm>>
        %dma_start3A_417 = arith.constant 0 : i32
        %dma_start3A_418 = arith.constant 0 : i32
        %dma_start3A_419 = tpu.memref_slice %arg8[%dma_start3A_410, %dma_start3A_417, %dma_start3A_418] : memref<4x4x2048xf32, #tpu.memory_space<vmem>> -> memref<1x4x2048xf32, #tpu.memory_space<vmem>>
        %dma_start3A_420 = tpu.memref_squeeze %dma_start3A_419 : memref<1x4x2048xf32, #tpu.memory_space<vmem>> -> memref<4x2048xf32, #tpu.memory_space<vmem>>
        %dma_start3A_421 = arith.constant 0 : i32
        %dma_start3A_422 = tpu.memref_slice %arg4[%add3A_409, %dma_start3A_421] : memref<16384x2048xf32, #tpu.memory_space<hbm>> -> memref<4x2048xf32, #tpu.memory_space<hbm>>
        tpu.enqueue_dma source(%dma_start3A_422 : memref<4x2048xf32, #tpu.memory_space<hbm>>) target(%dma_start3A_420 : memref<4x2048xf32, #tpu.memory_space<vmem>>) target_semaphore(%arg13 : memref<!tpu.dma_semaphore, #tpu.memory_space<semaphore_mem>>)
      } else {
      }
      %mul3A_121 = arith.constant 4 : i32
      %mul3A_122 = arith.muli %add3A_115, %mul3A_121 : i32
      %add3A_123 = arith.addi %mul3A_2, %mul3A_122 : i32
      %dma_wait3A_124 = arith.constant 0 : i32
      %dma_wait3A_125 = arith.constant 0 : i32
      %dma_wait3A_126 = arith.constant 0 : i32
      %dma_wait3A_127 = tpu.memref_slice %arg8[%dma_wait3A_124, %dma_wait3A_125, %dma_wait3A_126] : memref<4x4x2048xf32, #tpu.memory_space<vmem>> -> memref<1x4x2048xf32, #tpu.memory_space<vmem>>
      %dma_wait3A_128 = tpu.memref_squeeze %dma_wait3A_127 : memref<1x4x2048xf32, #tpu.memory_space<vmem>> -> memref<4x2048xf32, #tpu.memory_space<vmem>>
      %dma_wait3A_129 = arith.constant 0 : i32
      %dma_wait3A_130 = tpu.memref_slice %arg4[%add3A_123, %dma_wait3A_129] : memref<16384x2048xf32, #tpu.memory_space<hbm>> -> memref<4x2048xf32, #tpu.memory_space<hbm>>
      %dma_wait3A_131 = arith.constant 0 : i32
      %dma_wait3A_132 = arith.constant 0 : i32
      %dma_wait3A_133 = tpu.memref_slice %arg8[%dma_wait3A_124, %dma_wait3A_131, %dma_wait3A_132] : memref<4x4x2048xf32, #tpu.memory_space<vmem>> -> memref<1x4x2048xf32, #tpu.memory_space<vmem>>
      %dma_wait3A_134 = tpu.memref_squeeze %dma_wait3A_133 : memref<1x4x2048xf32, #tpu.memory_space<vmem>> -> memref<4x2048xf32, #tpu.memory_space<vmem>>
      %dma_wait3A_135 = arith.constant 0 : i32
      %dma_wait3A_136 = tpu.memref_slice %arg4[%add3A_123, %dma_wait3A_135] : memref<16384x2048xf32, #tpu.memory_space<hbm>> -> memref<4x2048xf32, #tpu.memory_space<hbm>>
      tpu.wait_dma2 semaphore(%arg10 : memref<!tpu.dma_semaphore, #tpu.memory_space<semaphore_mem>>) src(%dma_wait3A_136 : memref<4x2048xf32, #tpu.memory_space<hbm>>) dst(%dma_wait3A_134 : memref<4x2048xf32, #tpu.memory_space<vmem>>)
      %ge3A = arith.constant 4 : i32
      %ge3A_137 = arith.cmpi sge, %add3A_115, %ge3A : i32
      %convert_element_type3A_138 = arith.extui %ge3A_137 : i1 to i32
      %cond3A_139 = arith.constant 0 : i32
      %cond3A_140 = arith.cmpi ne, %convert_element_type3A_138, %cond3A_139 : i32
      scf.if %cond3A_140 {
        %mul3A_403 = arith.constant 4 : i32
        %mul3A_404 = arith.muli %add3A_115, %mul3A_403 : i32
        %add3A_405 = arith.addi %mul3A_2, %mul3A_404 : i32
        %dma_wait3A_406 = arith.constant 0 : i32
        %dma_wait3A_407 = arith.constant 0 : i32
        %dma_wait3A_408 = arith.constant 0 : i32
        %dma_wait3A_409 = tpu.memref_slice %arg9[%dma_wait3A_406, %dma_wait3A_407, %dma_wait3A_408] : memref<4x4x2048xf32, #tpu.memory_space<vmem>> -> memref<1x4x2048xf32, #tpu.memory_space<vmem>>
        %dma_wait3A_410 = tpu.memref_squeeze %dma_wait3A_409 : memref<1x4x2048xf32, #tpu.memory_space<vmem>> -> memref<4x2048xf32, #tpu.memory_space<vmem>>
        %dma_wait3A_411 = arith.constant 0 : i32
        %dma_wait3A_412 = tpu.memref_slice %arg5[%add3A_405, %dma_wait3A_411] : memref<16384x2048xf32, #tpu.memory_space<hbm>> -> memref<4x2048xf32, #tpu.memory_space<hbm>>
        %dma_wait3A_413 = arith.constant 0 : i32
        %dma_wait3A_414 = tpu.memref_slice %arg5[%add3A_405, %dma_wait3A_413] : memref<16384x2048xf32, #tpu.memory_space<hbm>> -> memref<4x2048xf32, #tpu.memory_space<hbm>>
        %dma_wait3A_415 = arith.constant 0 : i32
        %dma_wait3A_416 = arith.constant 0 : i32
        %dma_wait3A_417 = tpu.memref_slice %arg9[%dma_wait3A_406, %dma_wait3A_415, %dma_wait3A_416] : memref<4x4x2048xf32, #tpu.memory_space<vmem>> -> memref<1x4x2048xf32, #tpu.memory_space<vmem>>
        %dma_wait3A_418 = tpu.memref_squeeze %dma_wait3A_417 : memref<1x4x2048xf32, #tpu.memory_space<vmem>> -> memref<4x2048xf32, #tpu.memory_space<vmem>>
        tpu.wait_dma2 semaphore(%arg14 : memref<!tpu.dma_semaphore, #tpu.memory_space<semaphore_mem>>) src(%dma_wait3A_418 : memref<4x2048xf32, #tpu.memory_space<vmem>>) dst(%dma_wait3A_414 : memref<4x2048xf32, #tpu.memory_space<hbm>>)
      } else {
      }
      %mul3A_141 = arith.constant 4 : i32
      %mul3A_142 = arith.muli %add3A_115, %mul3A_141 : i32
      %get3A = arith.index_cast %mul3A_142 : i32 to index
      %get3A_143 = tpu.vector_load %arg7[%get3A] {strides = array<i32>} : memref<528xi32, #tpu.memory_space<vmem>>, vector<16xi32>,
      %get3A_144 = vector.shape_cast %get3A_143 : vector<16xi32> to vector<16xi32>
      %slice3A = vector.extract_strided_slice %get3A_144 {offsets = [0], sizes = [1], strides = [1]} : vector<16xi32> to vector<1xi32>
      %squeeze3A = vector.extract %slice3A[0] : i32 from vector<1xi32>
      %parallel_loop3A = arith.constant 0 : i32
      %parallel_loop3A_145 = arith.constant 2048 : i32
      %parallel_loop3A_146 = arith.constant 16 : i32
      scf.for %parallel_loop3A_403 = %parallel_loop3A to %parallel_loop3A_145 step %parallel_loop3A_146  : i32 {
        %parallel_loop3A_404 = arith.addi %squeeze3A, %parallel_loop3A_403 : i32
        %parallel_loop3A_405 = arith.index_cast %parallel_loop3A_404 : i32 to index
        %parallel_loop3A_406 = tpu.vector_load %arg6[%parallel_loop3A_405] {strides = array<i32>} : memref<8192xf32, #tpu.memory_space<vmem>>, vector<16xf32>,
        %parallel_loop3A_407 = vector.shape_cast %parallel_loop3A_406 : vector<16xf32> to vector<16xf32>
        %parallel_loop3A_408 = arith.constant 0 : i32
        %parallel_loop3A_409 = arith.constant 0 : i32
        %parallel_loop3A_410 = arith.index_cast %parallel_loop3A_408 : i32 to index
        %parallel_loop3A_411 = arith.index_cast %parallel_loop3A_409 : i32 to index
        %parallel_loop3A_412 = arith.index_cast %parallel_loop3A_403 : i32 to index
        %parallel_loop3A_413 = tpu.vector_load %arg8[%parallel_loop3A_410, %parallel_loop3A_411, %parallel_loop3A_412] {strides = array<i32>} : memref<4x4x2048xf32, #tpu.memory_space<vmem>>, vector<1x1x16xf32>,
        %parallel_loop3A_414 = vector.shape_cast %parallel_loop3A_413 : vector<1x1x16xf32> to vector<16xf32>
        %parallel_loop3A_415 = arith.constant 1.000000e-01 : f32
        %parallel_loop3A_416 = vector.broadcast %parallel_loop3A_415 : f32 to vector<16xf32>
        %parallel_loop3A_417 = arith.mulf %parallel_loop3A_416, %parallel_loop3A_414 : vector<16xf32>
        %parallel_loop3A_418 = arith.addf %parallel_loop3A_407, %parallel_loop3A_417 : vector<16xf32>
        %parallel_loop3A_419 = arith.constant 0 : i32
        %parallel_loop3A_420 = arith.constant 0 : i32
        %parallel_loop3A_421 = arith.index_cast %parallel_loop3A_419 : i32 to index
        %parallel_loop3A_422 = arith.index_cast %parallel_loop3A_420 : i32 to index
        %parallel_loop3A_423 = arith.index_cast %parallel_loop3A_403 : i32 to index
        %parallel_loop3A_424 = tpu.vector_load %arg9[%parallel_loop3A_421, %parallel_loop3A_422, %parallel_loop3A_423] {strides = array<i32>} : memref<4x4x2048xf32, #tpu.memory_space<vmem>>, vector<1x1x16xf32>,
        %parallel_loop3A_425 = vector.shape_cast %parallel_loop3A_424 : vector<1x1x16xf32> to vector<16xf32>
        %parallel_loop3A_426 = vector.shape_cast %parallel_loop3A_418 : vector<16xf32> to vector<1x1x16xf32>
        tpu.vector_store %arg9[%parallel_loop3A_421, %parallel_loop3A_422, %parallel_loop3A_423], %parallel_loop3A_426 {strides = array<i32>} : memref<4x4x2048xf32, #tpu.memory_space<vmem>>, vector<1x1x16xf32>,
      } {sc.loop_unroll_factor = 8 : i64, sc.parallel_access}
      %slice3A_147 = vector.extract_strided_slice %get3A_144 {offsets = [1], sizes = [1], strides = [1]} : vector<16xi32> to vector<1xi32>
      %squeeze3A_148 = vector.extract %slice3A_147[0] : i32 from vector<1xi32>
      %parallel_loop3A_149 = arith.constant 0 : i32
      %parallel_loop3A_150 = arith.constant 2048 : i32
      %parallel_loop3A_151 = arith.constant 16 : i32
      scf.for %parallel_loop3A_403 = %parallel_loop3A_149 to %parallel_loop3A_150 step %parallel_loop3A_151  : i32 {
        %parallel_loop3A_404 = arith.addi %squeeze3A_148, %parallel_loop3A_403 : i32
        %parallel_loop3A_405 = arith.index_cast %parallel_loop3A_404 : i32 to index
        %parallel_loop3A_406 = tpu.vector_load %arg6[%parallel_loop3A_405] {strides = array<i32>} : memref<8192xf32, #tpu.memory_space<vmem>>, vector<16xf32>,
        %parallel_loop3A_407 = vector.shape_cast %parallel_loop3A_406 : vector<16xf32> to vector<16xf32>
        %parallel_loop3A_408 = arith.constant 0 : i32
        %parallel_loop3A_409 = arith.constant 1 : i32
        %parallel_loop3A_410 = arith.index_cast %parallel_loop3A_408 : i32 to index
        %parallel_loop3A_411 = arith.index_cast %parallel_loop3A_409 : i32 to index
        %parallel_loop3A_412 = arith.index_cast %parallel_loop3A_403 : i32 to index
        %parallel_loop3A_413 = tpu.vector_load %arg8[%parallel_loop3A_410, %parallel_loop3A_411, %parallel_loop3A_412] {strides = array<i32>} : memref<4x4x2048xf32, #tpu.memory_space<vmem>>, vector<1x1x16xf32>,
        %parallel_loop3A_414 = vector.shape_cast %parallel_loop3A_413 : vector<1x1x16xf32> to vector<16xf32>
        %parallel_loop3A_415 = arith.constant 1.000000e-01 : f32
        %parallel_loop3A_416 = vector.broadcast %parallel_loop3A_415 : f32 to vector<16xf32>
        %parallel_loop3A_417 = arith.mulf %parallel_loop3A_416, %parallel_loop3A_414 : vector<16xf32>
        %parallel_loop3A_418 = arith.addf %parallel_loop3A_407, %parallel_loop3A_417 : vector<16xf32>
        %parallel_loop3A_419 = arith.constant 0 : i32
        %parallel_loop3A_420 = arith.constant 1 : i32
        %parallel_loop3A_421 = arith.index_cast %parallel_loop3A_419 : i32 to index
        %parallel_loop3A_422 = arith.index_cast %parallel_loop3A_420 : i32 to index
        %parallel_loop3A_423 = arith.index_cast %parallel_loop3A_403 : i32 to index
        %parallel_loop3A_424 = tpu.vector_load %arg9[%parallel_loop3A_421, %parallel_loop3A_422, %parallel_loop3A_423] {strides = array<i32>} : memref<4x4x2048xf32, #tpu.memory_space<vmem>>, vector<1x1x16xf32>,
        %parallel_loop3A_425 = vector.shape_cast %parallel_loop3A_424 : vector<1x1x16xf32> to vector<16xf32>
        %parallel_loop3A_426 = vector.shape_cast %parallel_loop3A_418 : vector<16xf32> to vector<1x1x16xf32>
        tpu.vector_store %arg9[%parallel_loop3A_421, %parallel_loop3A_422, %parallel_loop3A_423], %parallel_loop3A_426 {strides = array<i32>} : memref<4x4x2048xf32, #tpu.memory_space<vmem>>, vector<1x1x16xf32>,
      } {sc.loop_unroll_factor = 8 : i64, sc.parallel_access}
      %slice3A_152 = vector.extract_strided_slice %get3A_144 {offsets = [2], sizes = [1], strides = [1]} : vector<16xi32> to vector<1xi32>
      %squeeze3A_153 = vector.extract %slice3A_152[0] : i32 from vector<1xi32>
      %parallel_loop3A_154 = arith.constant 0 : i32
      %parallel_loop3A_155 = arith.constant 2048 : i32
      %parallel_loop3A_156 = arith.constant 16 : i32
      scf.for %parallel_loop3A_403 = %parallel_loop3A_154 to %parallel_loop3A_155 step %parallel_loop3A_156  : i32 {
        %parallel_loop3A_404 = arith.addi %squeeze3A_153, %parallel_loop3A_403 : i32
        %parallel_loop3A_405 = arith.index_cast %parallel_loop3A_404 : i32 to index
        %parallel_loop3A_406 = tpu.vector_load %arg6[%parallel_loop3A_405] {strides = array<i32>} : memref<8192xf32, #tpu.memory_space<vmem>>, vector<16xf32>,
        %parallel_loop3A_407 = vector.shape_cast %parallel_loop3A_406 : vector<16xf32> to vector<16xf32>
        %parallel_loop3A_408 = arith.constant 0 : i32
        %parallel_loop3A_409 = arith.constant 2 : i32
        %parallel_loop3A_410 = arith.index_cast %parallel_loop3A_408 : i32 to index
        %parallel_loop3A_411 = arith.index_cast %parallel_loop3A_409 : i32 to index
        %parallel_loop3A_412 = arith.index_cast %parallel_loop3A_403 : i32 to index
        %parallel_loop3A_413 = tpu.vector_load %arg8[%parallel_loop3A_410, %parallel_loop3A_411, %parallel_loop3A_412] {strides = array<i32>} : memref<4x4x2048xf32, #tpu.memory_space<vmem>>, vector<1x1x16xf32>,
        %parallel_loop3A_414 = vector.shape_cast %parallel_loop3A_413 : vector<1x1x16xf32> to vector<16xf32>
        %parallel_loop3A_415 = arith.constant 1.000000e-01 : f32
        %parallel_loop3A_416 = vector.broadcast %parallel_loop3A_415 : f32 to vector<16xf32>
        %parallel_loop3A_417 = arith.mulf %parallel_loop3A_416, %parallel_loop3A_414 : vector<16xf32>
        %parallel_loop3A_418 = arith.addf %parallel_loop3A_407, %parallel_loop3A_417 : vector<16xf32>
        %parallel_loop3A_419 = arith.constant 0 : i32
        %parallel_loop3A_420 = arith.constant 2 : i32
        %parallel_loop3A_421 = arith.index_cast %parallel_loop3A_419 : i32 to index
        %parallel_loop3A_422 = arith.index_cast %parallel_loop3A_420 : i32 to index
        %parallel_loop3A_423 = arith.index_cast %parallel_loop3A_403 : i32 to index
        %parallel_loop3A_424 = tpu.vector_load %arg9[%parallel_loop3A_421, %parallel_loop3A_422, %parallel_loop3A_423] {strides = array<i32>} : memref<4x4x2048xf32, #tpu.memory_space<vmem>>, vector<1x1x16xf32>,
        %parallel_loop3A_425 = vector.shape_cast %parallel_loop3A_424 : vector<1x1x16xf32> to vector<16xf32>
        %parallel_loop3A_426 = vector.shape_cast %parallel_loop3A_418 : vector<16xf32> to vector<1x1x16xf32>
        tpu.vector_store %arg9[%parallel_loop3A_421, %parallel_loop3A_422, %parallel_loop3A_423], %parallel_loop3A_426 {strides = array<i32>} : memref<4x4x2048xf32, #tpu.memory_space<vmem>>, vector<1x1x16xf32>,
      } {sc.loop_unroll_factor = 8 : i64, sc.parallel_access}
      %slice3A_157 = vector.extract_strided_slice %get3A_144 {offsets = [3], sizes = [1], strides = [1]} : vector<16xi32> to vector<1xi32>
      %squeeze3A_158 = vector.extract %slice3A_157[0] : i32 from vector<1xi32>
      %parallel_loop3A_159 = arith.constant 0 : i32
      %parallel_loop3A_160 = arith.constant 2048 : i32
      %parallel_loop3A_161 = arith.constant 16 : i32
      scf.for %parallel_loop3A_403 = %parallel_loop3A_159 to %parallel_loop3A_160 step %parallel_loop3A_161  : i32 {
        %parallel_loop3A_404 = arith.addi %squeeze3A_158, %parallel_loop3A_403 : i32
        %parallel_loop3A_405 = arith.index_cast %parallel_loop3A_404 : i32 to index
        %parallel_loop3A_406 = tpu.vector_load %arg6[%parallel_loop3A_405] {strides = array<i32>} : memref<8192xf32, #tpu.memory_space<vmem>>, vector<16xf32>,
        %parallel_loop3A_407 = vector.shape_cast %parallel_loop3A_406 : vector<16xf32> to vector<16xf32>
        %parallel_loop3A_408 = arith.constant 0 : i32
        %parallel_loop3A_409 = arith.constant 3 : i32
        %parallel_loop3A_410 = arith.index_cast %parallel_loop3A_408 : i32 to index
        %parallel_loop3A_411 = arith.index_cast %parallel_loop3A_409 : i32 to index
        %parallel_loop3A_412 = arith.index_cast %parallel_loop3A_403 : i32 to index
        %parallel_loop3A_413 = tpu.vector_load %arg8[%parallel_loop3A_410, %parallel_loop3A_411, %parallel_loop3A_412] {strides = array<i32>} : memref<4x4x2048xf32, #tpu.memory_space<vmem>>, vector<1x1x16xf32>,
        %parallel_loop3A_414 = vector.shape_cast %parallel_loop3A_413 : vector<1x1x16xf32> to vector<16xf32>
        %parallel_loop3A_415 = arith.constant 1.000000e-01 : f32
        %parallel_loop3A_416 = vector.broadcast %parallel_loop3A_415 : f32 to vector<16xf32>
        %parallel_loop3A_417 = arith.mulf %parallel_loop3A_416, %parallel_loop3A_414 : vector<16xf32>
        %parallel_loop3A_418 = arith.addf %parallel_loop3A_407, %parallel_loop3A_417 : vector<16xf32>
        %parallel_loop3A_419 = arith.constant 0 : i32
        %parallel_loop3A_420 = arith.constant 3 : i32
        %parallel_loop3A_421 = arith.index_cast %parallel_loop3A_419 : i32 to index
        %parallel_loop3A_422 = arith.index_cast %parallel_loop3A_420 : i32 to index
        %parallel_loop3A_423 = arith.index_cast %parallel_loop3A_403 : i32 to index
        %parallel_loop3A_424 = tpu.vector_load %arg9[%parallel_loop3A_421, %parallel_loop3A_422, %parallel_loop3A_423] {strides = array<i32>} : memref<4x4x2048xf32, #tpu.memory_space<vmem>>, vector<1x1x16xf32>,
        %parallel_loop3A_425 = vector.shape_cast %parallel_loop3A_424 : vector<1x1x16xf32> to vector<16xf32>
        %parallel_loop3A_426 = vector.shape_cast %parallel_loop3A_418 : vector<16xf32> to vector<1x1x16xf32>
        tpu.vector_store %arg9[%parallel_loop3A_421, %parallel_loop3A_422, %parallel_loop3A_423], %parallel_loop3A_426 {strides = array<i32>} : memref<4x4x2048xf32, #tpu.memory_space<vmem>>, vector<1x1x16xf32>,
      } {sc.loop_unroll_factor = 8 : i64, sc.parallel_access}
      %mul3A_162 = arith.constant 4 : i32
      %mul3A_163 = arith.muli %add3A_115, %mul3A_162 : i32
      %add3A_164 = arith.addi %mul3A_2, %mul3A_163 : i32
      %dma_start3A_165 = arith.constant 0 : i32
      %dma_start3A_166 = arith.constant 0 : i32
      %dma_start3A_167 = arith.constant 0 : i32
      %dma_start3A_168 = tpu.memref_slice %arg9[%dma_start3A_165, %dma_start3A_166, %dma_start3A_167] : memref<4x4x2048xf32, #tpu.memory_space<vmem>> -> memref<1x4x2048xf32, #tpu.memory_space<vmem>>
      %dma_start3A_169 = tpu.memref_squeeze %dma_start3A_168 : memref<1x4x2048xf32, #tpu.memory_space<vmem>> -> memref<4x2048xf32, #tpu.memory_space<vmem>>
      %dma_start3A_170 = arith.constant 0 : i32
      %dma_start3A_171 = tpu.memref_slice %arg5[%add3A_164, %dma_start3A_170] : memref<16384x2048xf32, #tpu.memory_space<hbm>> -> memref<4x2048xf32, #tpu.memory_space<hbm>>
      %dma_start3A_172 = arith.constant 0 : i32
      %dma_start3A_173 = tpu.memref_slice %arg5[%add3A_164, %dma_start3A_172] : memref<16384x2048xf32, #tpu.memory_space<hbm>> -> memref<4x2048xf32, #tpu.memory_space<hbm>>
      %dma_start3A_174 = arith.constant 0 : i32
      %dma_start3A_175 = arith.constant 0 : i32
      %dma_start3A_176 = tpu.memref_slice %arg9[%dma_start3A_165, %dma_start3A_174, %dma_start3A_175] : memref<4x4x2048xf32, #tpu.memory_space<vmem>> -> memref<1x4x2048xf32, #tpu.memory_space<vmem>>
      %dma_start3A_177 = tpu.memref_squeeze %dma_start3A_176 : memref<1x4x2048xf32, #tpu.memory_space<vmem>> -> memref<4x2048xf32, #tpu.memory_space<vmem>>
      tpu.enqueue_dma source(%dma_start3A_177 : memref<4x2048xf32, #tpu.memory_space<vmem>>) target(%dma_start3A_173 : memref<4x2048xf32, #tpu.memory_space<hbm>>) target_semaphore(%arg14 : memref<!tpu.dma_semaphore, #tpu.memory_space<semaphore_mem>>)
      %mul3A_178 = arith.constant 4 : i32
      %mul3A_179 = arith.muli %scan3A_111, %mul3A_178 : i32
      %add3A_180 = arith.constant 1 : i32
      %add3A_181 = arith.addi %mul3A_179, %add3A_180 : i32
      %add3A_182 = arith.constant 4 : i32
      %add3A_183 = arith.addi %add3A_181, %add3A_182 : i32
      %sub3A_184 = arith.constant 1 : i32
      %sub3A_185 = arith.subi %add3A_183, %sub3A_184 : i32
      %lt3A_186 = arith.constant 128 : i32
      %lt3A_187 = arith.cmpi slt, %sub3A_185, %lt3A_186 : i32
      %convert_element_type3A_188 = arith.extui %lt3A_187 : i1 to i32
      %cond3A_189 = arith.constant 0 : i32
      %cond3A_190 = arith.cmpi ne, %convert_element_type3A_188, %cond3A_189 : i32
      scf.if %cond3A_190 {
        %add3A_403 = arith.constant 4 : i32
        %add3A_404 = arith.addi %add3A_181, %add3A_403 : i32
        %sub3A_405 = arith.constant 1 : i32
        %sub3A_406 = arith.subi %add3A_404, %sub3A_405 : i32
        %mul3A_407 = arith.constant 4 : i32
        %mul3A_408 = arith.muli %sub3A_406, %mul3A_407 : i32
        %add3A_409 = arith.addi %mul3A_2, %mul3A_408 : i32
        %dma_start3A_410 = arith.constant 0 : i32
        %dma_start3A_411 = arith.constant 0 : i32
        %dma_start3A_412 = arith.constant 0 : i32
        %dma_start3A_413 = tpu.memref_slice %arg8[%dma_start3A_410, %dma_start3A_411, %dma_start3A_412] : memref<4x4x2048xf32, #tpu.memory_space<vmem>> -> memref<1x4x2048xf32, #tpu.memory_space<vmem>>
        %dma_start3A_414 = tpu.memref_squeeze %dma_start3A_413 : memref<1x4x2048xf32, #tpu.memory_space<vmem>> -> memref<4x2048xf32, #tpu.memory_space<vmem>>
        %dma_start3A_415 = arith.constant 0 : i32
        %dma_start3A_416 = tpu.memref_slice %arg4[%add3A_409, %dma_start3A_415] : memref<16384x2048xf32, #tpu.memory_space<hbm>> -> memref<4x2048xf32, #tpu.memory_space<hbm>>
        %dma_start3A_417 = arith.constant 0 : i32
        %dma_start3A_418 = arith.constant 0 : i32
        %dma_start3A_419 = tpu.memref_slice %arg8[%dma_start3A_410, %dma_start3A_417, %dma_start3A_418] : memref<4x4x2048xf32, #tpu.memory_space<vmem>> -> memref<1x4x2048xf32, #tpu.memory_space<vmem>>
        %dma_start3A_420 = tpu.memref_squeeze %dma_start3A_419 : memref<1x4x2048xf32, #tpu.memory_space<vmem>> -> memref<4x2048xf32, #tpu.memory_space<vmem>>
        %dma_start3A_421 = arith.constant 0 : i32
        %dma_start3A_422 = tpu.memref_slice %arg4[%add3A_409, %dma_start3A_421] : memref<16384x2048xf32, #tpu.memory_space<hbm>> -> memref<4x2048xf32, #tpu.memory_space<hbm>>
        tpu.enqueue_dma source(%dma_start3A_422 : memref<4x2048xf32, #tpu.memory_space<hbm>>) target(%dma_start3A_420 : memref<4x2048xf32, #tpu.memory_space<vmem>>) target_semaphore(%arg10 : memref<!tpu.dma_semaphore, #tpu.memory_space<semaphore_mem>>)
      } else {
      }
      %mul3A_191 = arith.constant 4 : i32
      %mul3A_192 = arith.muli %add3A_181, %mul3A_191 : i32
      %add3A_193 = arith.addi %mul3A_2, %mul3A_192 : i32
      %dma_wait3A_194 = arith.constant 1 : i32
      %dma_wait3A_195 = arith.constant 0 : i32
      %dma_wait3A_196 = arith.constant 0 : i32
      %dma_wait3A_197 = tpu.memref_slice %arg8[%dma_wait3A_194, %dma_wait3A_195, %dma_wait3A_196] : memref<4x4x2048xf32, #tpu.memory_space<vmem>> -> memref<1x4x2048xf32, #tpu.memory_space<vmem>>
      %dma_wait3A_198 = tpu.memref_squeeze %dma_wait3A_197 : memref<1x4x2048xf32, #tpu.memory_space<vmem>> -> memref<4x2048xf32, #tpu.memory_space<vmem>>
      %dma_wait3A_199 = arith.constant 0 : i32
      %dma_wait3A_200 = tpu.memref_slice %arg4[%add3A_193, %dma_wait3A_199] : memref<16384x2048xf32, #tpu.memory_space<hbm>> -> memref<4x2048xf32, #tpu.memory_space<hbm>>
      %dma_wait3A_201 = arith.constant 0 : i32
      %dma_wait3A_202 = arith.constant 0 : i32
      %dma_wait3A_203 = tpu.memref_slice %arg8[%dma_wait3A_194, %dma_wait3A_201, %dma_wait3A_202] : memref<4x4x2048xf32, #tpu.memory_space<vmem>> -> memref<1x4x2048xf32, #tpu.memory_space<vmem>>
      %dma_wait3A_204 = tpu.memref_squeeze %dma_wait3A_203 : memref<1x4x2048xf32, #tpu.memory_space<vmem>> -> memref<4x2048xf32, #tpu.memory_space<vmem>>
      %dma_wait3A_205 = arith.constant 0 : i32
      %dma_wait3A_206 = tpu.memref_slice %arg4[%add3A_193, %dma_wait3A_205] : memref<16384x2048xf32, #tpu.memory_space<hbm>> -> memref<4x2048xf32, #tpu.memory_space<hbm>>
      tpu.wait_dma2 semaphore(%arg11 : memref<!tpu.dma_semaphore, #tpu.memory_space<semaphore_mem>>) src(%dma_wait3A_206 : memref<4x2048xf32, #tpu.memory_space<hbm>>) dst(%dma_wait3A_204 : memref<4x2048xf32, #tpu.memory_space<vmem>>)
      %ge3A_207 = arith.constant 4 : i32
      %ge3A_208 = arith.cmpi sge, %add3A_181, %ge3A_207 : i32
      %convert_element_type3A_209 = arith.extui %ge3A_208 : i1 to i32
      %cond3A_210 = arith.constant 0 : i32
      %cond3A_211 = arith.cmpi ne, %convert_element_type3A_209, %cond3A_210 : i32
      scf.if %cond3A_211 {
        %mul3A_403 = arith.constant 4 : i32
        %mul3A_404 = arith.muli %add3A_181, %mul3A_403 : i32
        %add3A_405 = arith.addi %mul3A_2, %mul3A_404 : i32
        %dma_wait3A_406 = arith.constant 1 : i32
        %dma_wait3A_407 = arith.constant 0 : i32
        %dma_wait3A_408 = arith.constant 0 : i32
        %dma_wait3A_409 = tpu.memref_slice %arg9[%dma_wait3A_406, %dma_wait3A_407, %dma_wait3A_408] : memref<4x4x2048xf32, #tpu.memory_space<vmem>> -> memref<1x4x2048xf32, #tpu.memory_space<vmem>>
        %dma_wait3A_410 = tpu.memref_squeeze %dma_wait3A_409 : memref<1x4x2048xf32, #tpu.memory_space<vmem>> -> memref<4x2048xf32, #tpu.memory_space<vmem>>
        %dma_wait3A_411 = arith.constant 0 : i32
        %dma_wait3A_412 = tpu.memref_slice %arg5[%add3A_405, %dma_wait3A_411] : memref<16384x2048xf32, #tpu.memory_space<hbm>> -> memref<4x2048xf32, #tpu.memory_space<hbm>>
        %dma_wait3A_413 = arith.constant 0 : i32
        %dma_wait3A_414 = tpu.memref_slice %arg5[%add3A_405, %dma_wait3A_413] : memref<16384x2048xf32, #tpu.memory_space<hbm>> -> memref<4x2048xf32, #tpu.memory_space<hbm>>
        %dma_wait3A_415 = arith.constant 0 : i32
        %dma_wait3A_416 = arith.constant 0 : i32
        %dma_wait3A_417 = tpu.memref_slice %arg9[%dma_wait3A_406, %dma_wait3A_415, %dma_wait3A_416] : memref<4x4x2048xf32, #tpu.memory_space<vmem>> -> memref<1x4x2048xf32, #tpu.memory_space<vmem>>
        %dma_wait3A_418 = tpu.memref_squeeze %dma_wait3A_417 : memref<1x4x2048xf32, #tpu.memory_space<vmem>> -> memref<4x2048xf32, #tpu.memory_space<vmem>>
        tpu.wait_dma2 semaphore(%arg15 : memref<!tpu.dma_semaphore, #tpu.memory_space<semaphore_mem>>) src(%dma_wait3A_418 : memref<4x2048xf32, #tpu.memory_space<vmem>>) dst(%dma_wait3A_414 : memref<4x2048xf32, #tpu.memory_space<hbm>>)
      } else {
      }
      %mul3A_212 = arith.constant 4 : i32
      %mul3A_213 = arith.muli %add3A_181, %mul3A_212 : i32
      %get3A_214 = arith.index_cast %mul3A_213 : i32 to index
      %get3A_215 = tpu.vector_load %arg7[%get3A_214] {strides = array<i32>} : memref<528xi32, #tpu.memory_space<vmem>>, vector<16xi32>,
      %get3A_216 = vector.shape_cast %get3A_215 : vector<16xi32> to vector<16xi32>
      %slice3A_217 = vector.extract_strided_slice %get3A_216 {offsets = [0], sizes = [1], strides = [1]} : vector<16xi32> to vector<1xi32>
      %squeeze3A_218 = vector.extract %slice3A_217[0] : i32 from vector<1xi32>
      %parallel_loop3A_219 = arith.constant 0 : i32
      %parallel_loop3A_220 = arith.constant 2048 : i32
      %parallel_loop3A_221 = arith.constant 16 : i32
      scf.for %parallel_loop3A_403 = %parallel_loop3A_219 to %parallel_loop3A_220 step %parallel_loop3A_221  : i32 {
        %parallel_loop3A_404 = arith.addi %squeeze3A_218, %parallel_loop3A_403 : i32
        %parallel_loop3A_405 = arith.index_cast %parallel_loop3A_404 : i32 to index
        %parallel_loop3A_406 = tpu.vector_load %arg6[%parallel_loop3A_405] {strides = array<i32>} : memref<8192xf32, #tpu.memory_space<vmem>>, vector<16xf32>,
        %parallel_loop3A_407 = vector.shape_cast %parallel_loop3A_406 : vector<16xf32> to vector<16xf32>
        %parallel_loop3A_408 = arith.constant 1 : i32
        %parallel_loop3A_409 = arith.constant 0 : i32
        %parallel_loop3A_410 = arith.index_cast %parallel_loop3A_408 : i32 to index
        %parallel_loop3A_411 = arith.index_cast %parallel_loop3A_409 : i32 to index
        %parallel_loop3A_412 = arith.index_cast %parallel_loop3A_403 : i32 to index
        %parallel_loop3A_413 = tpu.vector_load %arg8[%parallel_loop3A_410, %parallel_loop3A_411, %parallel_loop3A_412] {strides = array<i32>} : memref<4x4x2048xf32, #tpu.memory_space<vmem>>, vector<1x1x16xf32>,
        %parallel_loop3A_414 = vector.shape_cast %parallel_loop3A_413 : vector<1x1x16xf32> to vector<16xf32>
        %parallel_loop3A_415 = arith.constant 1.000000e-01 : f32
        %parallel_loop3A_416 = vector.broadcast %parallel_loop3A_415 : f32 to vector<16xf32>
        %parallel_loop3A_417 = arith.mulf %parallel_loop3A_416, %parallel_loop3A_414 : vector<16xf32>
        %parallel_loop3A_418 = arith.addf %parallel_loop3A_407, %parallel_loop3A_417 : vector<16xf32>
        %parallel_loop3A_419 = arith.constant 1 : i32
        %parallel_loop3A_420 = arith.constant 0 : i32
        %parallel_loop3A_421 = arith.index_cast %parallel_loop3A_419 : i32 to index
        %parallel_loop3A_422 = arith.index_cast %parallel_loop3A_420 : i32 to index
        %parallel_loop3A_423 = arith.index_cast %parallel_loop3A_403 : i32 to index
        %parallel_loop3A_424 = tpu.vector_load %arg9[%parallel_loop3A_421, %parallel_loop3A_422, %parallel_loop3A_423] {strides = array<i32>} : memref<4x4x2048xf32, #tpu.memory_space<vmem>>, vector<1x1x16xf32>,
        %parallel_loop3A_425 = vector.shape_cast %parallel_loop3A_424 : vector<1x1x16xf32> to vector<16xf32>
        %parallel_loop3A_426 = vector.shape_cast %parallel_loop3A_418 : vector<16xf32> to vector<1x1x16xf32>
        tpu.vector_store %arg9[%parallel_loop3A_421, %parallel_loop3A_422, %parallel_loop3A_423], %parallel_loop3A_426 {strides = array<i32>} : memref<4x4x2048xf32, #tpu.memory_space<vmem>>, vector<1x1x16xf32>,
      } {sc.loop_unroll_factor = 8 : i64, sc.parallel_access}
      %slice3A_222 = vector.extract_strided_slice %get3A_216 {offsets = [1], sizes = [1], strides = [1]} : vector<16xi32> to vector<1xi32>
      %squeeze3A_223 = vector.extract %slice3A_222[0] : i32 from vector<1xi32>
      %parallel_loop3A_224 = arith.constant 0 : i32
      %parallel_loop3A_225 = arith.constant 2048 : i32
      %parallel_loop3A_226 = arith.constant 16 : i32
      scf.for %parallel_loop3A_403 = %parallel_loop3A_224 to %parallel_loop3A_225 step %parallel_loop3A_226  : i32 {
        %parallel_loop3A_404 = arith.addi %squeeze3A_223, %parallel_loop3A_403 : i32
        %parallel_loop3A_405 = arith.index_cast %parallel_loop3A_404 : i32 to index
        %parallel_loop3A_406 = tpu.vector_load %arg6[%parallel_loop3A_405] {strides = array<i32>} : memref<8192xf32, #tpu.memory_space<vmem>>, vector<16xf32>,
        %parallel_loop3A_407 = vector.shape_cast %parallel_loop3A_406 : vector<16xf32> to vector<16xf32>
        %parallel_loop3A_408 = arith.constant 1 : i32
        %parallel_loop3A_409 = arith.constant 1 : i32
        %parallel_loop3A_410 = arith.index_cast %parallel_loop3A_408 : i32 to index
        %parallel_loop3A_411 = arith.index_cast %parallel_loop3A_409 : i32 to index
        %parallel_loop3A_412 = arith.index_cast %parallel_loop3A_403 : i32 to index
        %parallel_loop3A_413 = tpu.vector_load %arg8[%parallel_loop3A_410, %parallel_loop3A_411, %parallel_loop3A_412] {strides = array<i32>} : memref<4x4x2048xf32, #tpu.memory_space<vmem>>, vector<1x1x16xf32>,
        %parallel_loop3A_414 = vector.shape_cast %parallel_loop3A_413 : vector<1x1x16xf32> to vector<16xf32>
        %parallel_loop3A_415 = arith.constant 1.000000e-01 : f32
        %parallel_loop3A_416 = vector.broadcast %parallel_loop3A_415 : f32 to vector<16xf32>
        %parallel_loop3A_417 = arith.mulf %parallel_loop3A_416, %parallel_loop3A_414 : vector<16xf32>
        %parallel_loop3A_418 = arith.addf %parallel_loop3A_407, %parallel_loop3A_417 : vector<16xf32>
        %parallel_loop3A_419 = arith.constant 1 : i32
        %parallel_loop3A_420 = arith.constant 1 : i32
        %parallel_loop3A_421 = arith.index_cast %parallel_loop3A_419 : i32 to index
        %parallel_loop3A_422 = arith.index_cast %parallel_loop3A_420 : i32 to index
        %parallel_loop3A_423 = arith.index_cast %parallel_loop3A_403 : i32 to index
        %parallel_loop3A_424 = tpu.vector_load %arg9[%parallel_loop3A_421, %parallel_loop3A_422, %parallel_loop3A_423] {strides = array<i32>} : memref<4x4x2048xf32, #tpu.memory_space<vmem>>, vector<1x1x16xf32>,
        %parallel_loop3A_425 = vector.shape_cast %parallel_loop3A_424 : vector<1x1x16xf32> to vector<16xf32>
        %parallel_loop3A_426 = vector.shape_cast %parallel_loop3A_418 : vector<16xf32> to vector<1x1x16xf32>
        tpu.vector_store %arg9[%parallel_loop3A_421, %parallel_loop3A_422, %parallel_loop3A_423], %parallel_loop3A_426 {strides = array<i32>} : memref<4x4x2048xf32, #tpu.memory_space<vmem>>, vector<1x1x16xf32>,
      } {sc.loop_unroll_factor = 8 : i64, sc.parallel_access}
      %slice3A_227 = vector.extract_strided_slice %get3A_216 {offsets = [2], sizes = [1], strides = [1]} : vector<16xi32> to vector<1xi32>
      %squeeze3A_228 = vector.extract %slice3A_227[0] : i32 from vector<1xi32>
      %parallel_loop3A_229 = arith.constant 0 : i32
      %parallel_loop3A_230 = arith.constant 2048 : i32
      %parallel_loop3A_231 = arith.constant 16 : i32
      scf.for %parallel_loop3A_403 = %parallel_loop3A_229 to %parallel_loop3A_230 step %parallel_loop3A_231  : i32 {
        %parallel_loop3A_404 = arith.addi %squeeze3A_228, %parallel_loop3A_403 : i32
        %parallel_loop3A_405 = arith.index_cast %parallel_loop3A_404 : i32 to index
        %parallel_loop3A_406 = tpu.vector_load %arg6[%parallel_loop3A_405] {strides = array<i32>} : memref<8192xf32, #tpu.memory_space<vmem>>, vector<16xf32>,
        %parallel_loop3A_407 = vector.shape_cast %parallel_loop3A_406 : vector<16xf32> to vector<16xf32>
        %parallel_loop3A_408 = arith.constant 1 : i32
        %parallel_loop3A_409 = arith.constant 2 : i32
        %parallel_loop3A_410 = arith.index_cast %parallel_loop3A_408 : i32 to index
        %parallel_loop3A_411 = arith.index_cast %parallel_loop3A_409 : i32 to index
        %parallel_loop3A_412 = arith.index_cast %parallel_loop3A_403 : i32 to index
        %parallel_loop3A_413 = tpu.vector_load %arg8[%parallel_loop3A_410, %parallel_loop3A_411, %parallel_loop3A_412] {strides = array<i32>} : memref<4x4x2048xf32, #tpu.memory_space<vmem>>, vector<1x1x16xf32>,
        %parallel_loop3A_414 = vector.shape_cast %parallel_loop3A_413 : vector<1x1x16xf32> to vector<16xf32>
        %parallel_loop3A_415 = arith.constant 1.000000e-01 : f32
        %parallel_loop3A_416 = vector.broadcast %parallel_loop3A_415 : f32 to vector<16xf32>
        %parallel_loop3A_417 = arith.mulf %parallel_loop3A_416, %parallel_loop3A_414 : vector<16xf32>
        %parallel_loop3A_418 = arith.addf %parallel_loop3A_407, %parallel_loop3A_417 : vector<16xf32>
        %parallel_loop3A_419 = arith.constant 1 : i32
        %parallel_loop3A_420 = arith.constant 2 : i32
        %parallel_loop3A_421 = arith.index_cast %parallel_loop3A_419 : i32 to index
        %parallel_loop3A_422 = arith.index_cast %parallel_loop3A_420 : i32 to index
        %parallel_loop3A_423 = arith.index_cast %parallel_loop3A_403 : i32 to index
        %parallel_loop3A_424 = tpu.vector_load %arg9[%parallel_loop3A_421, %parallel_loop3A_422, %parallel_loop3A_423] {strides = array<i32>} : memref<4x4x2048xf32, #tpu.memory_space<vmem>>, vector<1x1x16xf32>,
        %parallel_loop3A_425 = vector.shape_cast %parallel_loop3A_424 : vector<1x1x16xf32> to vector<16xf32>
        %parallel_loop3A_426 = vector.shape_cast %parallel_loop3A_418 : vector<16xf32> to vector<1x1x16xf32>
        tpu.vector_store %arg9[%parallel_loop3A_421, %parallel_loop3A_422, %parallel_loop3A_423], %parallel_loop3A_426 {strides = array<i32>} : memref<4x4x2048xf32, #tpu.memory_space<vmem>>, vector<1x1x16xf32>,
      } {sc.loop_unroll_factor = 8 : i64, sc.parallel_access}
      %slice3A_232 = vector.extract_strided_slice %get3A_216 {offsets = [3], sizes = [1], strides = [1]} : vector<16xi32> to vector<1xi32>
      %squeeze3A_233 = vector.extract %slice3A_232[0] : i32 from vector<1xi32>
      %parallel_loop3A_234 = arith.constant 0 : i32
      %parallel_loop3A_235 = arith.constant 2048 : i32
      %parallel_loop3A_236 = arith.constant 16 : i32
      scf.for %parallel_loop3A_403 = %parallel_loop3A_234 to %parallel_loop3A_235 step %parallel_loop3A_236  : i32 {
        %parallel_loop3A_404 = arith.addi %squeeze3A_233, %parallel_loop3A_403 : i32
        %parallel_loop3A_405 = arith.index_cast %parallel_loop3A_404 : i32 to index
        %parallel_loop3A_406 = tpu.vector_load %arg6[%parallel_loop3A_405] {strides = array<i32>} : memref<8192xf32, #tpu.memory_space<vmem>>, vector<16xf32>,
        %parallel_loop3A_407 = vector.shape_cast %parallel_loop3A_406 : vector<16xf32> to vector<16xf32>
        %parallel_loop3A_408 = arith.constant 1 : i32
        %parallel_loop3A_409 = arith.constant 3 : i32
        %parallel_loop3A_410 = arith.index_cast %parallel_loop3A_408 : i32 to index
        %parallel_loop3A_411 = arith.index_cast %parallel_loop3A_409 : i32 to index
        %parallel_loop3A_412 = arith.index_cast %parallel_loop3A_403 : i32 to index
        %parallel_loop3A_413 = tpu.vector_load %arg8[%parallel_loop3A_410, %parallel_loop3A_411, %parallel_loop3A_412] {strides = array<i32>} : memref<4x4x2048xf32, #tpu.memory_space<vmem>>, vector<1x1x16xf32>,
        %parallel_loop3A_414 = vector.shape_cast %parallel_loop3A_413 : vector<1x1x16xf32> to vector<16xf32>
        %parallel_loop3A_415 = arith.constant 1.000000e-01 : f32
        %parallel_loop3A_416 = vector.broadcast %parallel_loop3A_415 : f32 to vector<16xf32>
        %parallel_loop3A_417 = arith.mulf %parallel_loop3A_416, %parallel_loop3A_414 : vector<16xf32>
        %parallel_loop3A_418 = arith.addf %parallel_loop3A_407, %parallel_loop3A_417 : vector<16xf32>
        %parallel_loop3A_419 = arith.constant 1 : i32
        %parallel_loop3A_420 = arith.constant 3 : i32
        %parallel_loop3A_421 = arith.index_cast %parallel_loop3A_419 : i32 to index
        %parallel_loop3A_422 = arith.index_cast %parallel_loop3A_420 : i32 to index
        %parallel_loop3A_423 = arith.index_cast %parallel_loop3A_403 : i32 to index
        %parallel_loop3A_424 = tpu.vector_load %arg9[%parallel_loop3A_421, %parallel_loop3A_422, %parallel_loop3A_423] {strides = array<i32>} : memref<4x4x2048xf32, #tpu.memory_space<vmem>>, vector<1x1x16xf32>,
        %parallel_loop3A_425 = vector.shape_cast %parallel_loop3A_424 : vector<1x1x16xf32> to vector<16xf32>
        %parallel_loop3A_426 = vector.shape_cast %parallel_loop3A_418 : vector<16xf32> to vector<1x1x16xf32>
        tpu.vector_store %arg9[%parallel_loop3A_421, %parallel_loop3A_422, %parallel_loop3A_423], %parallel_loop3A_426 {strides = array<i32>} : memref<4x4x2048xf32, #tpu.memory_space<vmem>>, vector<1x1x16xf32>,
      } {sc.loop_unroll_factor = 8 : i64, sc.parallel_access}
      %mul3A_237 = arith.constant 4 : i32
      %mul3A_238 = arith.muli %add3A_181, %mul3A_237 : i32
      %add3A_239 = arith.addi %mul3A_2, %mul3A_238 : i32
      %dma_start3A_240 = arith.constant 1 : i32
      %dma_start3A_241 = arith.constant 0 : i32
      %dma_start3A_242 = arith.constant 0 : i32
      %dma_start3A_243 = tpu.memref_slice %arg9[%dma_start3A_240, %dma_start3A_241, %dma_start3A_242] : memref<4x4x2048xf32, #tpu.memory_space<vmem>> -> memref<1x4x2048xf32, #tpu.memory_space<vmem>>
      %dma_start3A_244 = tpu.memref_squeeze %dma_start3A_243 : memref<1x4x2048xf32, #tpu.memory_space<vmem>> -> memref<4x2048xf32, #tpu.memory_space<vmem>>
      %dma_start3A_245 = arith.constant 0 : i32
      %dma_start3A_246 = tpu.memref_slice %arg5[%add3A_239, %dma_start3A_245] : memref<16384x2048xf32, #tpu.memory_space<hbm>> -> memref<4x2048xf32, #tpu.memory_space<hbm>>
      %dma_start3A_247 = arith.constant 0 : i32
      %dma_start3A_248 = tpu.memref_slice %arg5[%add3A_239, %dma_start3A_247] : memref<16384x2048xf32, #tpu.memory_space<hbm>> -> memref<4x2048xf32, #tpu.memory_space<hbm>>
      %dma_start3A_249 = arith.constant 0 : i32
      %dma_start3A_250 = arith.constant 0 : i32
      %dma_start3A_251 = tpu.memref_slice %arg9[%dma_start3A_240, %dma_start3A_249, %dma_start3A_250] : memref<4x4x2048xf32, #tpu.memory_space<vmem>> -> memref<1x4x2048xf32, #tpu.memory_space<vmem>>
      %dma_start3A_252 = tpu.memref_squeeze %dma_start3A_251 : memref<1x4x2048xf32, #tpu.memory_space<vmem>> -> memref<4x2048xf32, #tpu.memory_space<vmem>>
      tpu.enqueue_dma source(%dma_start3A_252 : memref<4x2048xf32, #tpu.memory_space<vmem>>) target(%dma_start3A_248 : memref<4x2048xf32, #tpu.memory_space<hbm>>) target_semaphore(%arg15 : memref<!tpu.dma_semaphore, #tpu.memory_space<semaphore_mem>>)
      %mul3A_253 = arith.constant 4 : i32
      %mul3A_254 = arith.muli %scan3A_111, %mul3A_253 : i32
      %add3A_255 = arith.constant 2 : i32
      %add3A_256 = arith.addi %mul3A_254, %add3A_255 : i32
      %add3A_257 = arith.constant 4 : i32
      %add3A_258 = arith.addi %add3A_256, %add3A_257 : i32
      %sub3A_259 = arith.constant 1 : i32
      %sub3A_260 = arith.subi %add3A_258, %sub3A_259 : i32
      %lt3A_261 = arith.constant 128 : i32
      %lt3A_262 = arith.cmpi slt, %sub3A_260, %lt3A_261 : i32
      %convert_element_type3A_263 = arith.extui %lt3A_262 : i1 to i32
      %cond3A_264 = arith.constant 0 : i32
      %cond3A_265 = arith.cmpi ne, %convert_element_type3A_263, %cond3A_264 : i32
      scf.if %cond3A_265 {
        %add3A_403 = arith.constant 4 : i32
        %add3A_404 = arith.addi %add3A_256, %add3A_403 : i32
        %sub3A_405 = arith.constant 1 : i32
        %sub3A_406 = arith.subi %add3A_404, %sub3A_405 : i32
        %mul3A_407 = arith.constant 4 : i32
        %mul3A_408 = arith.muli %sub3A_406, %mul3A_407 : i32
        %add3A_409 = arith.addi %mul3A_2, %mul3A_408 : i32
        %dma_start3A_410 = arith.constant 1 : i32
        %dma_start3A_411 = arith.constant 0 : i32
        %dma_start3A_412 = arith.constant 0 : i32
        %dma_start3A_413 = tpu.memref_slice %arg8[%dma_start3A_410, %dma_start3A_411, %dma_start3A_412] : memref<4x4x2048xf32, #tpu.memory_space<vmem>> -> memref<1x4x2048xf32, #tpu.memory_space<vmem>>
        %dma_start3A_414 = tpu.memref_squeeze %dma_start3A_413 : memref<1x4x2048xf32, #tpu.memory_space<vmem>> -> memref<4x2048xf32, #tpu.memory_space<vmem>>
        %dma_start3A_415 = arith.constant 0 : i32
        %dma_start3A_416 = tpu.memref_slice %arg4[%add3A_409, %dma_start3A_415] : memref<16384x2048xf32, #tpu.memory_space<hbm>> -> memref<4x2048xf32, #tpu.memory_space<hbm>>
        %dma_start3A_417 = arith.constant 0 : i32
        %dma_start3A_418 = arith.constant 0 : i32
        %dma_start3A_419 = tpu.memref_slice %arg8[%dma_start3A_410, %dma_start3A_417, %dma_start3A_418] : memref<4x4x2048xf32, #tpu.memory_space<vmem>> -> memref<1x4x2048xf32, #tpu.memory_space<vmem>>
        %dma_start3A_420 = tpu.memref_squeeze %dma_start3A_419 : memref<1x4x2048xf32, #tpu.memory_space<vmem>> -> memref<4x2048xf32, #tpu.memory_space<vmem>>
        %dma_start3A_421 = arith.constant 0 : i32
        %dma_start3A_422 = tpu.memref_slice %arg4[%add3A_409, %dma_start3A_421] : memref<16384x2048xf32, #tpu.memory_space<hbm>> -> memref<4x2048xf32, #tpu.memory_space<hbm>>
        tpu.enqueue_dma source(%dma_start3A_422 : memref<4x2048xf32, #tpu.memory_space<hbm>>) target(%dma_start3A_420 : memref<4x2048xf32, #tpu.memory_space<vmem>>) target_semaphore(%arg11 : memref<!tpu.dma_semaphore, #tpu.memory_space<semaphore_mem>>)
      } else {
      }
      %mul3A_266 = arith.constant 4 : i32
      %mul3A_267 = arith.muli %add3A_256, %mul3A_266 : i32
      %add3A_268 = arith.addi %mul3A_2, %mul3A_267 : i32
      %dma_wait3A_269 = arith.constant 2 : i32
      %dma_wait3A_270 = arith.constant 0 : i32
      %dma_wait3A_271 = arith.constant 0 : i32
      %dma_wait3A_272 = tpu.memref_slice %arg8[%dma_wait3A_269, %dma_wait3A_270, %dma_wait3A_271] : memref<4x4x2048xf32, #tpu.memory_space<vmem>> -> memref<1x4x2048xf32, #tpu.memory_space<vmem>>
      %dma_wait3A_273 = tpu.memref_squeeze %dma_wait3A_272 : memref<1x4x2048xf32, #tpu.memory_space<vmem>> -> memref<4x2048xf32, #tpu.memory_space<vmem>>
      %dma_wait3A_274 = arith.constant 0 : i32
      %dma_wait3A_275 = tpu.memref_slice %arg4[%add3A_268, %dma_wait3A_274] : memref<16384x2048xf32, #tpu.memory_space<hbm>> -> memref<4x2048xf32, #tpu.memory_space<hbm>>
      %dma_wait3A_276 = arith.constant 0 : i32
      %dma_wait3A_277 = arith.constant 0 : i32
      %dma_wait3A_278 = tpu.memref_slice %arg8[%dma_wait3A_269, %dma_wait3A_276, %dma_wait3A_277] : memref<4x4x2048xf32, #tpu.memory_space<vmem>> -> memref<1x4x2048xf32, #tpu.memory_space<vmem>>
      %dma_wait3A_279 = tpu.memref_squeeze %dma_wait3A_278 : memref<1x4x2048xf32, #tpu.memory_space<vmem>> -> memref<4x2048xf32, #tpu.memory_space<vmem>>
      %dma_wait3A_280 = arith.constant 0 : i32
      %dma_wait3A_281 = tpu.memref_slice %arg4[%add3A_268, %dma_wait3A_280] : memref<16384x2048xf32, #tpu.memory_space<hbm>> -> memref<4x2048xf32, #tpu.memory_space<hbm>>
      tpu.wait_dma2 semaphore(%arg12 : memref<!tpu.dma_semaphore, #tpu.memory_space<semaphore_mem>>) src(%dma_wait3A_281 : memref<4x2048xf32, #tpu.memory_space<hbm>>) dst(%dma_wait3A_279 : memref<4x2048xf32, #tpu.memory_space<vmem>>)
      %ge3A_282 = arith.constant 4 : i32
      %ge3A_283 = arith.cmpi sge, %add3A_256, %ge3A_282 : i32
      %convert_element_type3A_284 = arith.extui %ge3A_283 : i1 to i32
      %cond3A_285 = arith.constant 0 : i32
      %cond3A_286 = arith.cmpi ne, %convert_element_type3A_284, %cond3A_285 : i32
      scf.if %cond3A_286 {
        %mul3A_403 = arith.constant 4 : i32
        %mul3A_404 = arith.muli %add3A_256, %mul3A_403 : i32
        %add3A_405 = arith.addi %mul3A_2, %mul3A_404 : i32
        %dma_wait3A_406 = arith.constant 2 : i32
        %dma_wait3A_407 = arith.constant 0 : i32
        %dma_wait3A_408 = arith.constant 0 : i32
        %dma_wait3A_409 = tpu.memref_slice %arg9[%dma_wait3A_406, %dma_wait3A_407, %dma_wait3A_408] : memref<4x4x2048xf32, #tpu.memory_space<vmem>> -> memref<1x4x2048xf32, #tpu.memory_space<vmem>>
        %dma_wait3A_410 = tpu.memref_squeeze %dma_wait3A_409 : memref<1x4x2048xf32, #tpu.memory_space<vmem>> -> memref<4x2048xf32, #tpu.memory_space<vmem>>
        %dma_wait3A_411 = arith.constant 0 : i32
        %dma_wait3A_412 = tpu.memref_slice %arg5[%add3A_405, %dma_wait3A_411] : memref<16384x2048xf32, #tpu.memory_space<hbm>> -> memref<4x2048xf32, #tpu.memory_space<hbm>>
        %dma_wait3A_413 = arith.constant 0 : i32
        %dma_wait3A_414 = tpu.memref_slice %arg5[%add3A_405, %dma_wait3A_413] : memref<16384x2048xf32, #tpu.memory_space<hbm>> -> memref<4x2048xf32, #tpu.memory_space<hbm>>
        %dma_wait3A_415 = arith.constant 0 : i32
        %dma_wait3A_416 = arith.constant 0 : i32
        %dma_wait3A_417 = tpu.memref_slice %arg9[%dma_wait3A_406, %dma_wait3A_415, %dma_wait3A_416] : memref<4x4x2048xf32, #tpu.memory_space<vmem>> -> memref<1x4x2048xf32, #tpu.memory_space<vmem>>
        %dma_wait3A_418 = tpu.memref_squeeze %dma_wait3A_417 : memref<1x4x2048xf32, #tpu.memory_space<vmem>> -> memref<4x2048xf32, #tpu.memory_space<vmem>>
        tpu.wait_dma2 semaphore(%arg16 : memref<!tpu.dma_semaphore, #tpu.memory_space<semaphore_mem>>) src(%dma_wait3A_418 : memref<4x2048xf32, #tpu.memory_space<vmem>>) dst(%dma_wait3A_414 : memref<4x2048xf32, #tpu.memory_space<hbm>>)
      } else {
      }
      %mul3A_287 = arith.constant 4 : i32
      %mul3A_288 = arith.muli %add3A_256, %mul3A_287 : i32
      %get3A_289 = arith.index_cast %mul3A_288 : i32 to index
      %get3A_290 = tpu.vector_load %arg7[%get3A_289] {strides = array<i32>} : memref<528xi32, #tpu.memory_space<vmem>>, vector<16xi32>,
      %get3A_291 = vector.shape_cast %get3A_290 : vector<16xi32> to vector<16xi32>
      %slice3A_292 = vector.extract_strided_slice %get3A_291 {offsets = [0], sizes = [1], strides = [1]} : vector<16xi32> to vector<1xi32>
      %squeeze3A_293 = vector.extract %slice3A_292[0] : i32 from vector<1xi32>
      %parallel_loop3A_294 = arith.constant 0 : i32
      %parallel_loop3A_295 = arith.constant 2048 : i32
      %parallel_loop3A_296 = arith.constant 16 : i32
      scf.for %parallel_loop3A_403 = %parallel_loop3A_294 to %parallel_loop3A_295 step %parallel_loop3A_296  : i32 {
        %parallel_loop3A_404 = arith.addi %squeeze3A_293, %parallel_loop3A_403 : i32
        %parallel_loop3A_405 = arith.index_cast %parallel_loop3A_404 : i32 to index
        %parallel_loop3A_406 = tpu.vector_load %arg6[%parallel_loop3A_405] {strides = array<i32>} : memref<8192xf32, #tpu.memory_space<vmem>>, vector<16xf32>,
        %parallel_loop3A_407 = vector.shape_cast %parallel_loop3A_406 : vector<16xf32> to vector<16xf32>
        %parallel_loop3A_408 = arith.constant 2 : i32
        %parallel_loop3A_409 = arith.constant 0 : i32
        %parallel_loop3A_410 = arith.index_cast %parallel_loop3A_408 : i32 to index
        %parallel_loop3A_411 = arith.index_cast %parallel_loop3A_409 : i32 to index
        %parallel_loop3A_412 = arith.index_cast %parallel_loop3A_403 : i32 to index
        %parallel_loop3A_413 = tpu.vector_load %arg8[%parallel_loop3A_410, %parallel_loop3A_411, %parallel_loop3A_412] {strides = array<i32>} : memref<4x4x2048xf32, #tpu.memory_space<vmem>>, vector<1x1x16xf32>,
        %parallel_loop3A_414 = vector.shape_cast %parallel_loop3A_413 : vector<1x1x16xf32> to vector<16xf32>
        %parallel_loop3A_415 = arith.constant 1.000000e-01 : f32
        %parallel_loop3A_416 = vector.broadcast %parallel_loop3A_415 : f32 to vector<16xf32>
        %parallel_loop3A_417 = arith.mulf %parallel_loop3A_416, %parallel_loop3A_414 : vector<16xf32>
        %parallel_loop3A_418 = arith.addf %parallel_loop3A_407, %parallel_loop3A_417 : vector<16xf32>
        %parallel_loop3A_419 = arith.constant 2 : i32
        %parallel_loop3A_420 = arith.constant 0 : i32
        %parallel_loop3A_421 = arith.index_cast %parallel_loop3A_419 : i32 to index
        %parallel_loop3A_422 = arith.index_cast %parallel_loop3A_420 : i32 to index
        %parallel_loop3A_423 = arith.index_cast %parallel_loop3A_403 : i32 to index
        %parallel_loop3A_424 = tpu.vector_load %arg9[%parallel_loop3A_421, %parallel_loop3A_422, %parallel_loop3A_423] {strides = array<i32>} : memref<4x4x2048xf32, #tpu.memory_space<vmem>>, vector<1x1x16xf32>,
        %parallel_loop3A_425 = vector.shape_cast %parallel_loop3A_424 : vector<1x1x16xf32> to vector<16xf32>
        %parallel_loop3A_426 = vector.shape_cast %parallel_loop3A_418 : vector<16xf32> to vector<1x1x16xf32>
        tpu.vector_store %arg9[%parallel_loop3A_421, %parallel_loop3A_422, %parallel_loop3A_423], %parallel_loop3A_426 {strides = array<i32>} : memref<4x4x2048xf32, #tpu.memory_space<vmem>>, vector<1x1x16xf32>,
      } {sc.loop_unroll_factor = 8 : i64, sc.parallel_access}
      %slice3A_297 = vector.extract_strided_slice %get3A_291 {offsets = [1], sizes = [1], strides = [1]} : vector<16xi32> to vector<1xi32>
      %squeeze3A_298 = vector.extract %slice3A_297[0] : i32 from vector<1xi32>
      %parallel_loop3A_299 = arith.constant 0 : i32
      %parallel_loop3A_300 = arith.constant 2048 : i32
      %parallel_loop3A_301 = arith.constant 16 : i32
      scf.for %parallel_loop3A_403 = %parallel_loop3A_299 to %parallel_loop3A_300 step %parallel_loop3A_301  : i32 {
        %parallel_loop3A_404 = arith.addi %squeeze3A_298, %parallel_loop3A_403 : i32
        %parallel_loop3A_405 = arith.index_cast %parallel_loop3A_404 : i32 to index
        %parallel_loop3A_406 = tpu.vector_load %arg6[%parallel_loop3A_405] {strides = array<i32>} : memref<8192xf32, #tpu.memory_space<vmem>>, vector<16xf32>,
        %parallel_loop3A_407 = vector.shape_cast %parallel_loop3A_406 : vector<16xf32> to vector<16xf32>
        %parallel_loop3A_408 = arith.constant 2 : i32
        %parallel_loop3A_409 = arith.constant 1 : i32
        %parallel_loop3A_410 = arith.index_cast %parallel_loop3A_408 : i32 to index
        %parallel_loop3A_411 = arith.index_cast %parallel_loop3A_409 : i32 to index
        %parallel_loop3A_412 = arith.index_cast %parallel_loop3A_403 : i32 to index
        %parallel_loop3A_413 = tpu.vector_load %arg8[%parallel_loop3A_410, %parallel_loop3A_411, %parallel_loop3A_412] {strides = array<i32>} : memref<4x4x2048xf32, #tpu.memory_space<vmem>>, vector<1x1x16xf32>,
        %parallel_loop3A_414 = vector.shape_cast %parallel_loop3A_413 : vector<1x1x16xf32> to vector<16xf32>
        %parallel_loop3A_415 = arith.constant 1.000000e-01 : f32
        %parallel_loop3A_416 = vector.broadcast %parallel_loop3A_415 : f32 to vector<16xf32>
        %parallel_loop3A_417 = arith.mulf %parallel_loop3A_416, %parallel_loop3A_414 : vector<16xf32>
        %parallel_loop3A_418 = arith.addf %parallel_loop3A_407, %parallel_loop3A_417 : vector<16xf32>
        %parallel_loop3A_419 = arith.constant 2 : i32
        %parallel_loop3A_420 = arith.constant 1 : i32
        %parallel_loop3A_421 = arith.index_cast %parallel_loop3A_419 : i32 to index
        %parallel_loop3A_422 = arith.index_cast %parallel_loop3A_420 : i32 to index
        %parallel_loop3A_423 = arith.index_cast %parallel_loop3A_403 : i32 to index
        %parallel_loop3A_424 = tpu.vector_load %arg9[%parallel_loop3A_421, %parallel_loop3A_422, %parallel_loop3A_423] {strides = array<i32>} : memref<4x4x2048xf32, #tpu.memory_space<vmem>>, vector<1x1x16xf32>,
        %parallel_loop3A_425 = vector.shape_cast %parallel_loop3A_424 : vector<1x1x16xf32> to vector<16xf32>
        %parallel_loop3A_426 = vector.shape_cast %parallel_loop3A_418 : vector<16xf32> to vector<1x1x16xf32>
        tpu.vector_store %arg9[%parallel_loop3A_421, %parallel_loop3A_422, %parallel_loop3A_423], %parallel_loop3A_426 {strides = array<i32>} : memref<4x4x2048xf32, #tpu.memory_space<vmem>>, vector<1x1x16xf32>,
      } {sc.loop_unroll_factor = 8 : i64, sc.parallel_access}
      %slice3A_302 = vector.extract_strided_slice %get3A_291 {offsets = [2], sizes = [1], strides = [1]} : vector<16xi32> to vector<1xi32>
      %squeeze3A_303 = vector.extract %slice3A_302[0] : i32 from vector<1xi32>
      %parallel_loop3A_304 = arith.constant 0 : i32
      %parallel_loop3A_305 = arith.constant 2048 : i32
      %parallel_loop3A_306 = arith.constant 16 : i32
      scf.for %parallel_loop3A_403 = %parallel_loop3A_304 to %parallel_loop3A_305 step %parallel_loop3A_306  : i32 {
        %parallel_loop3A_404 = arith.addi %squeeze3A_303, %parallel_loop3A_403 : i32
        %parallel_loop3A_405 = arith.index_cast %parallel_loop3A_404 : i32 to index
        %parallel_loop3A_406 = tpu.vector_load %arg6[%parallel_loop3A_405] {strides = array<i32>} : memref<8192xf32, #tpu.memory_space<vmem>>, vector<16xf32>,
        %parallel_loop3A_407 = vector.shape_cast %parallel_loop3A_406 : vector<16xf32> to vector<16xf32>
        %parallel_loop3A_408 = arith.constant 2 : i32
        %parallel_loop3A_409 = arith.constant 2 : i32
        %parallel_loop3A_410 = arith.index_cast %parallel_loop3A_408 : i32 to index
        %parallel_loop3A_411 = arith.index_cast %parallel_loop3A_409 : i32 to index
        %parallel_loop3A_412 = arith.index_cast %parallel_loop3A_403 : i32 to index
        %parallel_loop3A_413 = tpu.vector_load %arg8[%parallel_loop3A_410, %parallel_loop3A_411, %parallel_loop3A_412] {strides = array<i32>} : memref<4x4x2048xf32, #tpu.memory_space<vmem>>, vector<1x1x16xf32>,
        %parallel_loop3A_414 = vector.shape_cast %parallel_loop3A_413 : vector<1x1x16xf32> to vector<16xf32>
        %parallel_loop3A_415 = arith.constant 1.000000e-01 : f32
        %parallel_loop3A_416 = vector.broadcast %parallel_loop3A_415 : f32 to vector<16xf32>
        %parallel_loop3A_417 = arith.mulf %parallel_loop3A_416, %parallel_loop3A_414 : vector<16xf32>
        %parallel_loop3A_418 = arith.addf %parallel_loop3A_407, %parallel_loop3A_417 : vector<16xf32>
        %parallel_loop3A_419 = arith.constant 2 : i32
        %parallel_loop3A_420 = arith.constant 2 : i32
        %parallel_loop3A_421 = arith.index_cast %parallel_loop3A_419 : i32 to index
        %parallel_loop3A_422 = arith.index_cast %parallel_loop3A_420 : i32 to index
        %parallel_loop3A_423 = arith.index_cast %parallel_loop3A_403 : i32 to index
        %parallel_loop3A_424 = tpu.vector_load %arg9[%parallel_loop3A_421, %parallel_loop3A_422, %parallel_loop3A_423] {strides = array<i32>} : memref<4x4x2048xf32, #tpu.memory_space<vmem>>, vector<1x1x16xf32>,
        %parallel_loop3A_425 = vector.shape_cast %parallel_loop3A_424 : vector<1x1x16xf32> to vector<16xf32>
        %parallel_loop3A_426 = vector.shape_cast %parallel_loop3A_418 : vector<16xf32> to vector<1x1x16xf32>
        tpu.vector_store %arg9[%parallel_loop3A_421, %parallel_loop3A_422, %parallel_loop3A_423], %parallel_loop3A_426 {strides = array<i32>} : memref<4x4x2048xf32, #tpu.memory_space<vmem>>, vector<1x1x16xf32>,
      } {sc.loop_unroll_factor = 8 : i64, sc.parallel_access}
      %slice3A_307 = vector.extract_strided_slice %get3A_291 {offsets = [3], sizes = [1], strides = [1]} : vector<16xi32> to vector<1xi32>
      %squeeze3A_308 = vector.extract %slice3A_307[0] : i32 from vector<1xi32>
      %parallel_loop3A_309 = arith.constant 0 : i32
      %parallel_loop3A_310 = arith.constant 2048 : i32
      %parallel_loop3A_311 = arith.constant 16 : i32
      scf.for %parallel_loop3A_403 = %parallel_loop3A_309 to %parallel_loop3A_310 step %parallel_loop3A_311  : i32 {
        %parallel_loop3A_404 = arith.addi %squeeze3A_308, %parallel_loop3A_403 : i32
        %parallel_loop3A_405 = arith.index_cast %parallel_loop3A_404 : i32 to index
        %parallel_loop3A_406 = tpu.vector_load %arg6[%parallel_loop3A_405] {strides = array<i32>} : memref<8192xf32, #tpu.memory_space<vmem>>, vector<16xf32>,
        %parallel_loop3A_407 = vector.shape_cast %parallel_loop3A_406 : vector<16xf32> to vector<16xf32>
        %parallel_loop3A_408 = arith.constant 2 : i32
        %parallel_loop3A_409 = arith.constant 3 : i32
        %parallel_loop3A_410 = arith.index_cast %parallel_loop3A_408 : i32 to index
        %parallel_loop3A_411 = arith.index_cast %parallel_loop3A_409 : i32 to index
        %parallel_loop3A_412 = arith.index_cast %parallel_loop3A_403 : i32 to index
        %parallel_loop3A_413 = tpu.vector_load %arg8[%parallel_loop3A_410, %parallel_loop3A_411, %parallel_loop3A_412] {strides = array<i32>} : memref<4x4x2048xf32, #tpu.memory_space<vmem>>, vector<1x1x16xf32>,
        %parallel_loop3A_414 = vector.shape_cast %parallel_loop3A_413 : vector<1x1x16xf32> to vector<16xf32>
        %parallel_loop3A_415 = arith.constant 1.000000e-01 : f32
        %parallel_loop3A_416 = vector.broadcast %parallel_loop3A_415 : f32 to vector<16xf32>
        %parallel_loop3A_417 = arith.mulf %parallel_loop3A_416, %parallel_loop3A_414 : vector<16xf32>
        %parallel_loop3A_418 = arith.addf %parallel_loop3A_407, %parallel_loop3A_417 : vector<16xf32>
        %parallel_loop3A_419 = arith.constant 2 : i32
        %parallel_loop3A_420 = arith.constant 3 : i32
        %parallel_loop3A_421 = arith.index_cast %parallel_loop3A_419 : i32 to index
        %parallel_loop3A_422 = arith.index_cast %parallel_loop3A_420 : i32 to index
        %parallel_loop3A_423 = arith.index_cast %parallel_loop3A_403 : i32 to index
        %parallel_loop3A_424 = tpu.vector_load %arg9[%parallel_loop3A_421, %parallel_loop3A_422, %parallel_loop3A_423] {strides = array<i32>} : memref<4x4x2048xf32, #tpu.memory_space<vmem>>, vector<1x1x16xf32>,
        %parallel_loop3A_425 = vector.shape_cast %parallel_loop3A_424 : vector<1x1x16xf32> to vector<16xf32>
        %parallel_loop3A_426 = vector.shape_cast %parallel_loop3A_418 : vector<16xf32> to vector<1x1x16xf32>
        tpu.vector_store %arg9[%parallel_loop3A_421, %parallel_loop3A_422, %parallel_loop3A_423], %parallel_loop3A_426 {strides = array<i32>} : memref<4x4x2048xf32, #tpu.memory_space<vmem>>, vector<1x1x16xf32>,
      } {sc.loop_unroll_factor = 8 : i64, sc.parallel_access}
      %mul3A_312 = arith.constant 4 : i32
      %mul3A_313 = arith.muli %add3A_256, %mul3A_312 : i32
      %add3A_314 = arith.addi %mul3A_2, %mul3A_313 : i32
      %dma_start3A_315 = arith.constant 2 : i32
      %dma_start3A_316 = arith.constant 0 : i32
      %dma_start3A_317 = arith.constant 0 : i32
      %dma_start3A_318 = tpu.memref_slice %arg9[%dma_start3A_315, %dma_start3A_316, %dma_start3A_317] : memref<4x4x2048xf32, #tpu.memory_space<vmem>> -> memref<1x4x2048xf32, #tpu.memory_space<vmem>>
      %dma_start3A_319 = tpu.memref_squeeze %dma_start3A_318 : memref<1x4x2048xf32, #tpu.memory_space<vmem>> -> memref<4x2048xf32, #tpu.memory_space<vmem>>
      %dma_start3A_320 = arith.constant 0 : i32
      %dma_start3A_321 = tpu.memref_slice %arg5[%add3A_314, %dma_start3A_320] : memref<16384x2048xf32, #tpu.memory_space<hbm>> -> memref<4x2048xf32, #tpu.memory_space<hbm>>
      %dma_start3A_322 = arith.constant 0 : i32
      %dma_start3A_323 = tpu.memref_slice %arg5[%add3A_314, %dma_start3A_322] : memref<16384x2048xf32, #tpu.memory_space<hbm>> -> memref<4x2048xf32, #tpu.memory_space<hbm>>
      %dma_start3A_324 = arith.constant 0 : i32
      %dma_start3A_325 = arith.constant 0 : i32
      %dma_start3A_326 = tpu.memref_slice %arg9[%dma_start3A_315, %dma_start3A_324, %dma_start3A_325] : memref<4x4x2048xf32, #tpu.memory_space<vmem>> -> memref<1x4x2048xf32, #tpu.memory_space<vmem>>
      %dma_start3A_327 = tpu.memref_squeeze %dma_start3A_326 : memref<1x4x2048xf32, #tpu.memory_space<vmem>> -> memref<4x2048xf32, #tpu.memory_space<vmem>>
      tpu.enqueue_dma source(%dma_start3A_327 : memref<4x2048xf32, #tpu.memory_space<vmem>>) target(%dma_start3A_323 : memref<4x2048xf32, #tpu.memory_space<hbm>>) target_semaphore(%arg16 : memref<!tpu.dma_semaphore, #tpu.memory_space<semaphore_mem>>)
      %mul3A_328 = arith.constant 4 : i32
      %mul3A_329 = arith.muli %scan3A_111, %mul3A_328 : i32
      %add3A_330 = arith.constant 3 : i32
      %add3A_331 = arith.addi %mul3A_329, %add3A_330 : i32
      %add3A_332 = arith.constant 4 : i32
      %add3A_333 = arith.addi %add3A_331, %add3A_332 : i32
      %sub3A_334 = arith.constant 1 : i32
      %sub3A_335 = arith.subi %add3A_333, %sub3A_334 : i32
      %lt3A_336 = arith.constant 128 : i32
      %lt3A_337 = arith.cmpi slt, %sub3A_335, %lt3A_336 : i32
      %convert_element_type3A_338 = arith.extui %lt3A_337 : i1 to i32
      %cond3A_339 = arith.constant 0 : i32
      %cond3A_340 = arith.cmpi ne, %convert_element_type3A_338, %cond3A_339 : i32
      scf.if %cond3A_340 {
        %add3A_403 = arith.constant 4 : i32
        %add3A_404 = arith.addi %add3A_331, %add3A_403 : i32
        %sub3A_405 = arith.constant 1 : i32
        %sub3A_406 = arith.subi %add3A_404, %sub3A_405 : i32
        %mul3A_407 = arith.constant 4 : i32
        %mul3A_408 = arith.muli %sub3A_406, %mul3A_407 : i32
        %add3A_409 = arith.addi %mul3A_2, %mul3A_408 : i32
        %dma_start3A_410 = arith.constant 2 : i32
        %dma_start3A_411 = arith.constant 0 : i32
        %dma_start3A_412 = arith.constant 0 : i32
        %dma_start3A_413 = tpu.memref_slice %arg8[%dma_start3A_410, %dma_start3A_411, %dma_start3A_412] : memref<4x4x2048xf32, #tpu.memory_space<vmem>> -> memref<1x4x2048xf32, #tpu.memory_space<vmem>>
        %dma_start3A_414 = tpu.memref_squeeze %dma_start3A_413 : memref<1x4x2048xf32, #tpu.memory_space<vmem>> -> memref<4x2048xf32, #tpu.memory_space<vmem>>
        %dma_start3A_415 = arith.constant 0 : i32
        %dma_start3A_416 = tpu.memref_slice %arg4[%add3A_409, %dma_start3A_415] : memref<16384x2048xf32, #tpu.memory_space<hbm>> -> memref<4x2048xf32, #tpu.memory_space<hbm>>
        %dma_start3A_417 = arith.constant 0 : i32
        %dma_start3A_418 = arith.constant 0 : i32
        %dma_start3A_419 = tpu.memref_slice %arg8[%dma_start3A_410, %dma_start3A_417, %dma_start3A_418] : memref<4x4x2048xf32, #tpu.memory_space<vmem>> -> memref<1x4x2048xf32, #tpu.memory_space<vmem>>
        %dma_start3A_420 = tpu.memref_squeeze %dma_start3A_419 : memref<1x4x2048xf32, #tpu.memory_space<vmem>> -> memref<4x2048xf32, #tpu.memory_space<vmem>>
        %dma_start3A_421 = arith.constant 0 : i32
        %dma_start3A_422 = tpu.memref_slice %arg4[%add3A_409, %dma_start3A_421] : memref<16384x2048xf32, #tpu.memory_space<hbm>> -> memref<4x2048xf32, #tpu.memory_space<hbm>>
        tpu.enqueue_dma source(%dma_start3A_422 : memref<4x2048xf32, #tpu.memory_space<hbm>>) target(%dma_start3A_420 : memref<4x2048xf32, #tpu.memory_space<vmem>>) target_semaphore(%arg12 : memref<!tpu.dma_semaphore, #tpu.memory_space<semaphore_mem>>)
      } else {
      }
      %mul3A_341 = arith.constant 4 : i32
      %mul3A_342 = arith.muli %add3A_331, %mul3A_341 : i32
      %add3A_343 = arith.addi %mul3A_2, %mul3A_342 : i32
      %dma_wait3A_344 = arith.constant 3 : i32
      %dma_wait3A_345 = arith.constant 0 : i32
      %dma_wait3A_346 = arith.constant 0 : i32
      %dma_wait3A_347 = tpu.memref_slice %arg8[%dma_wait3A_344, %dma_wait3A_345, %dma_wait3A_346] : memref<4x4x2048xf32, #tpu.memory_space<vmem>> -> memref<1x4x2048xf32, #tpu.memory_space<vmem>>
      %dma_wait3A_348 = tpu.memref_squeeze %dma_wait3A_347 : memref<1x4x2048xf32, #tpu.memory_space<vmem>> -> memref<4x2048xf32, #tpu.memory_space<vmem>>
      %dma_wait3A_349 = arith.constant 0 : i32
      %dma_wait3A_350 = tpu.memref_slice %arg4[%add3A_343, %dma_wait3A_349] : memref<16384x2048xf32, #tpu.memory_space<hbm>> -> memref<4x2048xf32, #tpu.memory_space<hbm>>
      %dma_wait3A_351 = arith.constant 0 : i32
      %dma_wait3A_352 = arith.constant 0 : i32
      %dma_wait3A_353 = tpu.memref_slice %arg8[%dma_wait3A_344, %dma_wait3A_351, %dma_wait3A_352] : memref<4x4x2048xf32, #tpu.memory_space<vmem>> -> memref<1x4x2048xf32, #tpu.memory_space<vmem>>
      %dma_wait3A_354 = tpu.memref_squeeze %dma_wait3A_353 : memref<1x4x2048xf32, #tpu.memory_space<vmem>> -> memref<4x2048xf32, #tpu.memory_space<vmem>>
      %dma_wait3A_355 = arith.constant 0 : i32
      %dma_wait3A_356 = tpu.memref_slice %arg4[%add3A_343, %dma_wait3A_355] : memref<16384x2048xf32, #tpu.memory_space<hbm>> -> memref<4x2048xf32, #tpu.memory_space<hbm>>
      tpu.wait_dma2 semaphore(%arg13 : memref<!tpu.dma_semaphore, #tpu.memory_space<semaphore_mem>>) src(%dma_wait3A_356 : memref<4x2048xf32, #tpu.memory_space<hbm>>) dst(%dma_wait3A_354 : memref<4x2048xf32, #tpu.memory_space<vmem>>)
      %ge3A_357 = arith.constant 4 : i32
      %ge3A_358 = arith.cmpi sge, %add3A_331, %ge3A_357 : i32
      %convert_element_type3A_359 = arith.extui %ge3A_358 : i1 to i32
      %cond3A_360 = arith.constant 0 : i32
      %cond3A_361 = arith.cmpi ne, %convert_element_type3A_359, %cond3A_360 : i32
      scf.if %cond3A_361 {
        %mul3A_403 = arith.constant 4 : i32
        %mul3A_404 = arith.muli %add3A_331, %mul3A_403 : i32
        %add3A_405 = arith.addi %mul3A_2, %mul3A_404 : i32
        %dma_wait3A_406 = arith.constant 3 : i32
        %dma_wait3A_407 = arith.constant 0 : i32
        %dma_wait3A_408 = arith.constant 0 : i32
        %dma_wait3A_409 = tpu.memref_slice %arg9[%dma_wait3A_406, %dma_wait3A_407, %dma_wait3A_408] : memref<4x4x2048xf32, #tpu.memory_space<vmem>> -> memref<1x4x2048xf32, #tpu.memory_space<vmem>>
        %dma_wait3A_410 = tpu.memref_squeeze %dma_wait3A_409 : memref<1x4x2048xf32, #tpu.memory_space<vmem>> -> memref<4x2048xf32, #tpu.memory_space<vmem>>
        %dma_wait3A_411 = arith.constant 0 : i32
        %dma_wait3A_412 = tpu.memref_slice %arg5[%add3A_405, %dma_wait3A_411] : memref<16384x2048xf32, #tpu.memory_space<hbm>> -> memref<4x2048xf32, #tpu.memory_space<hbm>>
        %dma_wait3A_413 = arith.constant 0 : i32
        %dma_wait3A_414 = tpu.memref_slice %arg5[%add3A_405, %dma_wait3A_413] : memref<16384x2048xf32, #tpu.memory_space<hbm>> -> memref<4x2048xf32, #tpu.memory_space<hbm>>
        %dma_wait3A_415 = arith.constant 0 : i32
        %dma_wait3A_416 = arith.constant 0 : i32
        %dma_wait3A_417 = tpu.memref_slice %arg9[%dma_wait3A_406, %dma_wait3A_415, %dma_wait3A_416] : memref<4x4x2048xf32, #tpu.memory_space<vmem>> -> memref<1x4x2048xf32, #tpu.memory_space<vmem>>
        %dma_wait3A_418 = tpu.memref_squeeze %dma_wait3A_417 : memref<1x4x2048xf32, #tpu.memory_space<vmem>> -> memref<4x2048xf32, #tpu.memory_space<vmem>>
        tpu.wait_dma2 semaphore(%arg17 : memref<!tpu.dma_semaphore, #tpu.memory_space<semaphore_mem>>) src(%dma_wait3A_418 : memref<4x2048xf32, #tpu.memory_space<vmem>>) dst(%dma_wait3A_414 : memref<4x2048xf32, #tpu.memory_space<hbm>>)
      } else {
      }
      %mul3A_362 = arith.constant 4 : i32
      %mul3A_363 = arith.muli %add3A_331, %mul3A_362 : i32
      %get3A_364 = arith.index_cast %mul3A_363 : i32 to index
      %get3A_365 = tpu.vector_load %arg7[%get3A_364] {strides = array<i32>} : memref<528xi32, #tpu.memory_space<vmem>>, vector<16xi32>,
      %get3A_366 = vector.shape_cast %get3A_365 : vector<16xi32> to vector<16xi32>
      %slice3A_367 = vector.extract_strided_slice %get3A_366 {offsets = [0], sizes = [1], strides = [1]} : vector<16xi32> to vector<1xi32>
      %squeeze3A_368 = vector.extract %slice3A_367[0] : i32 from vector<1xi32>
      %parallel_loop3A_369 = arith.constant 0 : i32
      %parallel_loop3A_370 = arith.constant 2048 : i32
      %parallel_loop3A_371 = arith.constant 16 : i32
      scf.for %parallel_loop3A_403 = %parallel_loop3A_369 to %parallel_loop3A_370 step %parallel_loop3A_371  : i32 {
        %parallel_loop3A_404 = arith.addi %squeeze3A_368, %parallel_loop3A_403 : i32
        %parallel_loop3A_405 = arith.index_cast %parallel_loop3A_404 : i32 to index
        %parallel_loop3A_406 = tpu.vector_load %arg6[%parallel_loop3A_405] {strides = array<i32>} : memref<8192xf32, #tpu.memory_space<vmem>>, vector<16xf32>,
        %parallel_loop3A_407 = vector.shape_cast %parallel_loop3A_406 : vector<16xf32> to vector<16xf32>
        %parallel_loop3A_408 = arith.constant 3 : i32
        %parallel_loop3A_409 = arith.constant 0 : i32
        %parallel_loop3A_410 = arith.index_cast %parallel_loop3A_408 : i32 to index
        %parallel_loop3A_411 = arith.index_cast %parallel_loop3A_409 : i32 to index
        %parallel_loop3A_412 = arith.index_cast %parallel_loop3A_403 : i32 to index
        %parallel_loop3A_413 = tpu.vector_load %arg8[%parallel_loop3A_410, %parallel_loop3A_411, %parallel_loop3A_412] {strides = array<i32>} : memref<4x4x2048xf32, #tpu.memory_space<vmem>>, vector<1x1x16xf32>,
        %parallel_loop3A_414 = vector.shape_cast %parallel_loop3A_413 : vector<1x1x16xf32> to vector<16xf32>
        %parallel_loop3A_415 = arith.constant 1.000000e-01 : f32
        %parallel_loop3A_416 = vector.broadcast %parallel_loop3A_415 : f32 to vector<16xf32>
        %parallel_loop3A_417 = arith.mulf %parallel_loop3A_416, %parallel_loop3A_414 : vector<16xf32>
        %parallel_loop3A_418 = arith.addf %parallel_loop3A_407, %parallel_loop3A_417 : vector<16xf32>
        %parallel_loop3A_419 = arith.constant 3 : i32
        %parallel_loop3A_420 = arith.constant 0 : i32
        %parallel_loop3A_421 = arith.index_cast %parallel_loop3A_419 : i32 to index
        %parallel_loop3A_422 = arith.index_cast %parallel_loop3A_420 : i32 to index
        %parallel_loop3A_423 = arith.index_cast %parallel_loop3A_403 : i32 to index
        %parallel_loop3A_424 = tpu.vector_load %arg9[%parallel_loop3A_421, %parallel_loop3A_422, %parallel_loop3A_423] {strides = array<i32>} : memref<4x4x2048xf32, #tpu.memory_space<vmem>>, vector<1x1x16xf32>,
        %parallel_loop3A_425 = vector.shape_cast %parallel_loop3A_424 : vector<1x1x16xf32> to vector<16xf32>
        %parallel_loop3A_426 = vector.shape_cast %parallel_loop3A_418 : vector<16xf32> to vector<1x1x16xf32>
        tpu.vector_store %arg9[%parallel_loop3A_421, %parallel_loop3A_422, %parallel_loop3A_423], %parallel_loop3A_426 {strides = array<i32>} : memref<4x4x2048xf32, #tpu.memory_space<vmem>>, vector<1x1x16xf32>,
      } {sc.loop_unroll_factor = 8 : i64, sc.parallel_access}
      %slice3A_372 = vector.extract_strided_slice %get3A_366 {offsets = [1], sizes = [1], strides = [1]} : vector<16xi32> to vector<1xi32>
      %squeeze3A_373 = vector.extract %slice3A_372[0] : i32 from vector<1xi32>
      %parallel_loop3A_374 = arith.constant 0 : i32
      %parallel_loop3A_375 = arith.constant 2048 : i32
      %parallel_loop3A_376 = arith.constant 16 : i32
      scf.for %parallel_loop3A_403 = %parallel_loop3A_374 to %parallel_loop3A_375 step %parallel_loop3A_376  : i32 {
        %parallel_loop3A_404 = arith.addi %squeeze3A_373, %parallel_loop3A_403 : i32
        %parallel_loop3A_405 = arith.index_cast %parallel_loop3A_404 : i32 to index
        %parallel_loop3A_406 = tpu.vector_load %arg6[%parallel_loop3A_405] {strides = array<i32>} : memref<8192xf32, #tpu.memory_space<vmem>>, vector<16xf32>,
        %parallel_loop3A_407 = vector.shape_cast %parallel_loop3A_406 : vector<16xf32> to vector<16xf32>
        %parallel_loop3A_408 = arith.constant 3 : i32
        %parallel_loop3A_409 = arith.constant 1 : i32
        %parallel_loop3A_410 = arith.index_cast %parallel_loop3A_408 : i32 to index
        %parallel_loop3A_411 = arith.index_cast %parallel_loop3A_409 : i32 to index
        %parallel_loop3A_412 = arith.index_cast %parallel_loop3A_403 : i32 to index
        %parallel_loop3A_413 = tpu.vector_load %arg8[%parallel_loop3A_410, %parallel_loop3A_411, %parallel_loop3A_412] {strides = array<i32>} : memref<4x4x2048xf32, #tpu.memory_space<vmem>>, vector<1x1x16xf32>,
        %parallel_loop3A_414 = vector.shape_cast %parallel_loop3A_413 : vector<1x1x16xf32> to vector<16xf32>
        %parallel_loop3A_415 = arith.constant 1.000000e-01 : f32
        %parallel_loop3A_416 = vector.broadcast %parallel_loop3A_415 : f32 to vector<16xf32>
        %parallel_loop3A_417 = arith.mulf %parallel_loop3A_416, %parallel_loop3A_414 : vector<16xf32>
        %parallel_loop3A_418 = arith.addf %parallel_loop3A_407, %parallel_loop3A_417 : vector<16xf32>
        %parallel_loop3A_419 = arith.constant 3 : i32
        %parallel_loop3A_420 = arith.constant 1 : i32
        %parallel_loop3A_421 = arith.index_cast %parallel_loop3A_419 : i32 to index
        %parallel_loop3A_422 = arith.index_cast %parallel_loop3A_420 : i32 to index
        %parallel_loop3A_423 = arith.index_cast %parallel_loop3A_403 : i32 to index
        %parallel_loop3A_424 = tpu.vector_load %arg9[%parallel_loop3A_421, %parallel_loop3A_422, %parallel_loop3A_423] {strides = array<i32>} : memref<4x4x2048xf32, #tpu.memory_space<vmem>>, vector<1x1x16xf32>,
        %parallel_loop3A_425 = vector.shape_cast %parallel_loop3A_424 : vector<1x1x16xf32> to vector<16xf32>
        %parallel_loop3A_426 = vector.shape_cast %parallel_loop3A_418 : vector<16xf32> to vector<1x1x16xf32>
        tpu.vector_store %arg9[%parallel_loop3A_421, %parallel_loop3A_422, %parallel_loop3A_423], %parallel_loop3A_426 {strides = array<i32>} : memref<4x4x2048xf32, #tpu.memory_space<vmem>>, vector<1x1x16xf32>,
      } {sc.loop_unroll_factor = 8 : i64, sc.parallel_access}
      %slice3A_377 = vector.extract_strided_slice %get3A_366 {offsets = [2], sizes = [1], strides = [1]} : vector<16xi32> to vector<1xi32>
      %squeeze3A_378 = vector.extract %slice3A_377[0] : i32 from vector<1xi32>
      %parallel_loop3A_379 = arith.constant 0 : i32
      %parallel_loop3A_380 = arith.constant 2048 : i32
      %parallel_loop3A_381 = arith.constant 16 : i32
      scf.for %parallel_loop3A_403 = %parallel_loop3A_379 to %parallel_loop3A_380 step %parallel_loop3A_381  : i32 {
        %parallel_loop3A_404 = arith.addi %squeeze3A_378, %parallel_loop3A_403 : i32
        %parallel_loop3A_405 = arith.index_cast %parallel_loop3A_404 : i32 to index
        %parallel_loop3A_406 = tpu.vector_load %arg6[%parallel_loop3A_405] {strides = array<i32>} : memref<8192xf32, #tpu.memory_space<vmem>>, vector<16xf32>,
        %parallel_loop3A_407 = vector.shape_cast %parallel_loop3A_406 : vector<16xf32> to vector<16xf32>
        %parallel_loop3A_408 = arith.constant 3 : i32
        %parallel_loop3A_409 = arith.constant 2 : i32
        %parallel_loop3A_410 = arith.index_cast %parallel_loop3A_408 : i32 to index
        %parallel_loop3A_411 = arith.index_cast %parallel_loop3A_409 : i32 to index
        %parallel_loop3A_412 = arith.index_cast %parallel_loop3A_403 : i32 to index
        %parallel_loop3A_413 = tpu.vector_load %arg8[%parallel_loop3A_410, %parallel_loop3A_411, %parallel_loop3A_412] {strides = array<i32>} : memref<4x4x2048xf32, #tpu.memory_space<vmem>>, vector<1x1x16xf32>,
        %parallel_loop3A_414 = vector.shape_cast %parallel_loop3A_413 : vector<1x1x16xf32> to vector<16xf32>
        %parallel_loop3A_415 = arith.constant 1.000000e-01 : f32
        %parallel_loop3A_416 = vector.broadcast %parallel_loop3A_415 : f32 to vector<16xf32>
        %parallel_loop3A_417 = arith.mulf %parallel_loop3A_416, %parallel_loop3A_414 : vector<16xf32>
        %parallel_loop3A_418 = arith.addf %parallel_loop3A_407, %parallel_loop3A_417 : vector<16xf32>
        %parallel_loop3A_419 = arith.constant 3 : i32
        %parallel_loop3A_420 = arith.constant 2 : i32
        %parallel_loop3A_421 = arith.index_cast %parallel_loop3A_419 : i32 to index
        %parallel_loop3A_422 = arith.index_cast %parallel_loop3A_420 : i32 to index
        %parallel_loop3A_423 = arith.index_cast %parallel_loop3A_403 : i32 to index
        %parallel_loop3A_424 = tpu.vector_load %arg9[%parallel_loop3A_421, %parallel_loop3A_422, %parallel_loop3A_423] {strides = array<i32>} : memref<4x4x2048xf32, #tpu.memory_space<vmem>>, vector<1x1x16xf32>,
        %parallel_loop3A_425 = vector.shape_cast %parallel_loop3A_424 : vector<1x1x16xf32> to vector<16xf32>
        %parallel_loop3A_426 = vector.shape_cast %parallel_loop3A_418 : vector<16xf32> to vector<1x1x16xf32>
        tpu.vector_store %arg9[%parallel_loop3A_421, %parallel_loop3A_422, %parallel_loop3A_423], %parallel_loop3A_426 {strides = array<i32>} : memref<4x4x2048xf32, #tpu.memory_space<vmem>>, vector<1x1x16xf32>,
      } {sc.loop_unroll_factor = 8 : i64, sc.parallel_access}
      %slice3A_382 = vector.extract_strided_slice %get3A_366 {offsets = [3], sizes = [1], strides = [1]} : vector<16xi32> to vector<1xi32>
      %squeeze3A_383 = vector.extract %slice3A_382[0] : i32 from vector<1xi32>
      %parallel_loop3A_384 = arith.constant 0 : i32
      %parallel_loop3A_385 = arith.constant 2048 : i32
      %parallel_loop3A_386 = arith.constant 16 : i32
      scf.for %parallel_loop3A_403 = %parallel_loop3A_384 to %parallel_loop3A_385 step %parallel_loop3A_386  : i32 {
        %parallel_loop3A_404 = arith.addi %squeeze3A_383, %parallel_loop3A_403 : i32
        %parallel_loop3A_405 = arith.index_cast %parallel_loop3A_404 : i32 to index
        %parallel_loop3A_406 = tpu.vector_load %arg6[%parallel_loop3A_405] {strides = array<i32>} : memref<8192xf32, #tpu.memory_space<vmem>>, vector<16xf32>,
        %parallel_loop3A_407 = vector.shape_cast %parallel_loop3A_406 : vector<16xf32> to vector<16xf32>
        %parallel_loop3A_408 = arith.constant 3 : i32
        %parallel_loop3A_409 = arith.constant 3 : i32
        %parallel_loop3A_410 = arith.index_cast %parallel_loop3A_408 : i32 to index
        %parallel_loop3A_411 = arith.index_cast %parallel_loop3A_409 : i32 to index
        %parallel_loop3A_412 = arith.index_cast %parallel_loop3A_403 : i32 to index
        %parallel_loop3A_413 = tpu.vector_load %arg8[%parallel_loop3A_410, %parallel_loop3A_411, %parallel_loop3A_412] {strides = array<i32>} : memref<4x4x2048xf32, #tpu.memory_space<vmem>>, vector<1x1x16xf32>,
        %parallel_loop3A_414 = vector.shape_cast %parallel_loop3A_413 : vector<1x1x16xf32> to vector<16xf32>
        %parallel_loop3A_415 = arith.constant 1.000000e-01 : f32
        %parallel_loop3A_416 = vector.broadcast %parallel_loop3A_415 : f32 to vector<16xf32>
        %parallel_loop3A_417 = arith.mulf %parallel_loop3A_416, %parallel_loop3A_414 : vector<16xf32>
        %parallel_loop3A_418 = arith.addf %parallel_loop3A_407, %parallel_loop3A_417 : vector<16xf32>
        %parallel_loop3A_419 = arith.constant 3 : i32
        %parallel_loop3A_420 = arith.constant 3 : i32
        %parallel_loop3A_421 = arith.index_cast %parallel_loop3A_419 : i32 to index
        %parallel_loop3A_422 = arith.index_cast %parallel_loop3A_420 : i32 to index
        %parallel_loop3A_423 = arith.index_cast %parallel_loop3A_403 : i32 to index
        %parallel_loop3A_424 = tpu.vector_load %arg9[%parallel_loop3A_421, %parallel_loop3A_422, %parallel_loop3A_423] {strides = array<i32>} : memref<4x4x2048xf32, #tpu.memory_space<vmem>>, vector<1x1x16xf32>,
        %parallel_loop3A_425 = vector.shape_cast %parallel_loop3A_424 : vector<1x1x16xf32> to vector<16xf32>
        %parallel_loop3A_426 = vector.shape_cast %parallel_loop3A_418 : vector<16xf32> to vector<1x1x16xf32>
        tpu.vector_store %arg9[%parallel_loop3A_421, %parallel_loop3A_422, %parallel_loop3A_423], %parallel_loop3A_426 {strides = array<i32>} : memref<4x4x2048xf32, #tpu.memory_space<vmem>>, vector<1x1x16xf32>,
      } {sc.loop_unroll_factor = 8 : i64, sc.parallel_access}
      %mul3A_387 = arith.constant 4 : i32
      %mul3A_388 = arith.muli %add3A_331, %mul3A_387 : i32
      %add3A_389 = arith.addi %mul3A_2, %mul3A_388 : i32
      %dma_start3A_390 = arith.constant 3 : i32
      %dma_start3A_391 = arith.constant 0 : i32
      %dma_start3A_392 = arith.constant 0 : i32
      %dma_start3A_393 = tpu.memref_slice %arg9[%dma_start3A_390, %dma_start3A_391, %dma_start3A_392] : memref<4x4x2048xf32, #tpu.memory_space<vmem>> -> memref<1x4x2048xf32, #tpu.memory_space<vmem>>
      %dma_start3A_394 = tpu.memref_squeeze %dma_start3A_393 : memref<1x4x2048xf32, #tpu.memory_space<vmem>> -> memref<4x2048xf32, #tpu.memory_space<vmem>>
      %dma_start3A_395 = arith.constant 0 : i32
      %dma_start3A_396 = tpu.memref_slice %arg5[%add3A_389, %dma_start3A_395] : memref<16384x2048xf32, #tpu.memory_space<hbm>> -> memref<4x2048xf32, #tpu.memory_space<hbm>>
      %dma_start3A_397 = arith.constant 0 : i32
      %dma_start3A_398 = tpu.memref_slice %arg5[%add3A_389, %dma_start3A_397] : memref<16384x2048xf32, #tpu.memory_space<hbm>> -> memref<4x2048xf32, #tpu.memory_space<hbm>>
      %dma_start3A_399 = arith.constant 0 : i32
      %dma_start3A_400 = arith.constant 0 : i32
      %dma_start3A_401 = tpu.memref_slice %arg9[%dma_start3A_390, %dma_start3A_399, %dma_start3A_400] : memref<4x4x2048xf32, #tpu.memory_space<vmem>> -> memref<1x4x2048xf32, #tpu.memory_space<vmem>>
      %dma_start3A_402 = tpu.memref_squeeze %dma_start3A_401 : memref<1x4x2048xf32, #tpu.memory_space<vmem>> -> memref<4x2048xf32, #tpu.memory_space<vmem>>
      tpu.enqueue_dma source(%dma_start3A_402 : memref<4x2048xf32, #tpu.memory_space<vmem>>) target(%dma_start3A_398 : memref<4x2048xf32, #tpu.memory_space<hbm>>) target_semaphore(%arg17 : memref<!tpu.dma_semaphore, #tpu.memory_space<semaphore_mem>>)
    }
    %scan3A_51 = arith.constant 32 : i32
    %add3A_52 = arith.constant 496 : i32
    %add3A_53 = arith.addi %mul3A_2, %add3A_52 : i32
    %dma_wait3A = arith.constant 0 : i32
    %dma_wait3A_54 = arith.constant 0 : i32
    %dma_wait3A_55 = arith.constant 0 : i32
    %dma_wait3A_56 = tpu.memref_slice %arg9[%dma_wait3A, %dma_wait3A_54, %dma_wait3A_55] : memref<4x4x2048xf32, #tpu.memory_space<vmem>> -> memref<1x4x2048xf32, #tpu.memory_space<vmem>>
    %dma_wait3A_57 = tpu.memref_squeeze %dma_wait3A_56 : memref<1x4x2048xf32, #tpu.memory_space<vmem>> -> memref<4x2048xf32, #tpu.memory_space<vmem>>
    %dma_wait3A_58 = arith.constant 0 : i32
    %dma_wait3A_59 = tpu.memref_slice %arg5[%add3A_53, %dma_wait3A_58] : memref<16384x2048xf32, #tpu.memory_space<hbm>> -> memref<4x2048xf32, #tpu.memory_space<hbm>>
    %dma_wait3A_60 = arith.constant 0 : i32
    %dma_wait3A_61 = tpu.memref_slice %arg5[%add3A_53, %dma_wait3A_60] : memref<16384x2048xf32, #tpu.memory_space<hbm>> -> memref<4x2048xf32, #tpu.memory_space<hbm>>
    %dma_wait3A_62 = arith.constant 0 : i32
    %dma_wait3A_63 = arith.constant 0 : i32
    %dma_wait3A_64 = tpu.memref_slice %arg9[%dma_wait3A, %dma_wait3A_62, %dma_wait3A_63] : memref<4x4x2048xf32, #tpu.memory_space<vmem>> -> memref<1x4x2048xf32, #tpu.memory_space<vmem>>
    %dma_wait3A_65 = tpu.memref_squeeze %dma_wait3A_64 : memref<1x4x2048xf32, #tpu.memory_space<vmem>> -> memref<4x2048xf32, #tpu.memory_space<vmem>>
    tpu.wait_dma2 semaphore(%arg14 : memref<!tpu.dma_semaphore, #tpu.memory_space<semaphore_mem>>) src(%dma_wait3A_65 : memref<4x2048xf32, #tpu.memory_space<vmem>>) dst(%dma_wait3A_61 : memref<4x2048xf32, #tpu.memory_space<hbm>>)
    %add3A_66 = arith.constant 500 : i32
    %add3A_67 = arith.addi %mul3A_2, %add3A_66 : i32
    %dma_wait3A_68 = arith.constant 1 : i32
    %dma_wait3A_69 = arith.constant 0 : i32
    %dma_wait3A_70 = arith.constant 0 : i32
    %dma_wait3A_71 = tpu.memref_slice %arg9[%dma_wait3A_68, %dma_wait3A_69, %dma_wait3A_70] : memref<4x4x2048xf32, #tpu.memory_space<vmem>> -> memref<1x4x2048xf32, #tpu.memory_space<vmem>>
    %dma_wait3A_72 = tpu.memref_squeeze %dma_wait3A_71 : memref<1x4x2048xf32, #tpu.memory_space<vmem>> -> memref<4x2048xf32, #tpu.memory_space<vmem>>
    %dma_wait3A_73 = arith.constant 0 : i32
    %dma_wait3A_74 = tpu.memref_slice %arg5[%add3A_67, %dma_wait3A_73] : memref<16384x2048xf32, #tpu.memory_space<hbm>> -> memref<4x2048xf32, #tpu.memory_space<hbm>>
    %dma_wait3A_75 = arith.constant 0 : i32
    %dma_wait3A_76 = tpu.memref_slice %arg5[%add3A_67, %dma_wait3A_75] : memref<16384x2048xf32, #tpu.memory_space<hbm>> -> memref<4x2048xf32, #tpu.memory_space<hbm>>
    %dma_wait3A_77 = arith.constant 0 : i32
    %dma_wait3A_78 = arith.constant 0 : i32
    %dma_wait3A_79 = tpu.memref_slice %arg9[%dma_wait3A_68, %dma_wait3A_77, %dma_wait3A_78] : memref<4x4x2048xf32, #tpu.memory_space<vmem>> -> memref<1x4x2048xf32, #tpu.memory_space<vmem>>
    %dma_wait3A_80 = tpu.memref_squeeze %dma_wait3A_79 : memref<1x4x2048xf32, #tpu.memory_space<vmem>> -> memref<4x2048xf32, #tpu.memory_space<vmem>>
    tpu.wait_dma2 semaphore(%arg15 : memref<!tpu.dma_semaphore, #tpu.memory_space<semaphore_mem>>) src(%dma_wait3A_80 : memref<4x2048xf32, #tpu.memory_space<vmem>>) dst(%dma_wait3A_76 : memref<4x2048xf32, #tpu.memory_space<hbm>>)
    %add3A_81 = arith.constant 504 : i32
    %add3A_82 = arith.addi %mul3A_2, %add3A_81 : i32
    %dma_wait3A_83 = arith.constant 2 : i32
    %dma_wait3A_84 = arith.constant 0 : i32
    %dma_wait3A_85 = arith.constant 0 : i32
    %dma_wait3A_86 = tpu.memref_slice %arg9[%dma_wait3A_83, %dma_wait3A_84, %dma_wait3A_85] : memref<4x4x2048xf32, #tpu.memory_space<vmem>> -> memref<1x4x2048xf32, #tpu.memory_space<vmem>>
    %dma_wait3A_87 = tpu.memref_squeeze %dma_wait3A_86 : memref<1x4x2048xf32, #tpu.memory_space<vmem>> -> memref<4x2048xf32, #tpu.memory_space<vmem>>
    %dma_wait3A_88 = arith.constant 0 : i32
    %dma_wait3A_89 = tpu.memref_slice %arg5[%add3A_82, %dma_wait3A_88] : memref<16384x2048xf32, #tpu.memory_space<hbm>> -> memref<4x2048xf32, #tpu.memory_space<hbm>>
    %dma_wait3A_90 = arith.constant 0 : i32
    %dma_wait3A_91 = tpu.memref_slice %arg5[%add3A_82, %dma_wait3A_90] : memref<16384x2048xf32, #tpu.memory_space<hbm>> -> memref<4x2048xf32, #tpu.memory_space<hbm>>
    %dma_wait3A_92 = arith.constant 0 : i32
    %dma_wait3A_93 = arith.constant 0 : i32
    %dma_wait3A_94 = tpu.memref_slice %arg9[%dma_wait3A_83, %dma_wait3A_92, %dma_wait3A_93] : memref<4x4x2048xf32, #tpu.memory_space<vmem>> -> memref<1x4x2048xf32, #tpu.memory_space<vmem>>
    %dma_wait3A_95 = tpu.memref_squeeze %dma_wait3A_94 : memref<1x4x2048xf32, #tpu.memory_space<vmem>> -> memref<4x2048xf32, #tpu.memory_space<vmem>>
    tpu.wait_dma2 semaphore(%arg16 : memref<!tpu.dma_semaphore, #tpu.memory_space<semaphore_mem>>) src(%dma_wait3A_95 : memref<4x2048xf32, #tpu.memory_space<vmem>>) dst(%dma_wait3A_91 : memref<4x2048xf32, #tpu.memory_space<hbm>>)
    %add3A_96 = arith.constant 508 : i32
    %add3A_97 = arith.addi %mul3A_2, %add3A_96 : i32
    %dma_wait3A_98 = arith.constant 3 : i32
    %dma_wait3A_99 = arith.constant 0 : i32
    %dma_wait3A_100 = arith.constant 0 : i32
    %dma_wait3A_101 = tpu.memref_slice %arg9[%dma_wait3A_98, %dma_wait3A_99, %dma_wait3A_100] : memref<4x4x2048xf32, #tpu.memory_space<vmem>> -> memref<1x4x2048xf32, #tpu.memory_space<vmem>>
    %dma_wait3A_102 = tpu.memref_squeeze %dma_wait3A_101 : memref<1x4x2048xf32, #tpu.memory_space<vmem>> -> memref<4x2048xf32, #tpu.memory_space<vmem>>
    %dma_wait3A_103 = arith.constant 0 : i32
    %dma_wait3A_104 = tpu.memref_slice %arg5[%add3A_97, %dma_wait3A_103] : memref<16384x2048xf32, #tpu.memory_space<hbm>> -> memref<4x2048xf32, #tpu.memory_space<hbm>>
    %dma_wait3A_105 = arith.constant 0 : i32
    %dma_wait3A_106 = tpu.memref_slice %arg5[%add3A_97, %dma_wait3A_105] : memref<16384x2048xf32, #tpu.memory_space<hbm>> -> memref<4x2048xf32, #tpu.memory_space<hbm>>
    %dma_wait3A_107 = arith.constant 0 : i32
    %dma_wait3A_108 = arith.constant 0 : i32
    %dma_wait3A_109 = tpu.memref_slice %arg9[%dma_wait3A_98, %dma_wait3A_107, %dma_wait3A_108] : memref<4x4x2048xf32, #tpu.memory_space<vmem>> -> memref<1x4x2048xf32, #tpu.memory_space<vmem>>
    %dma_wait3A_110 = tpu.memref_squeeze %dma_wait3A_109 : memref<1x4x2048xf32, #tpu.memory_space<vmem>> -> memref<4x2048xf32, #tpu.memory_space<vmem>>
    tpu.wait_dma2 semaphore(%arg17 : memref<!tpu.dma_semaphore, #tpu.memory_space<semaphore_mem>>) src(%dma_wait3A_110 : memref<4x2048xf32, #tpu.memory_space<vmem>>) dst(%dma_wait3A_106 : memref<4x2048xf32, #tpu.memory_space<hbm>>)
    return
  }
}

</mosaic_0001>

<sc_bundles>
// kernel: kernel.3.cloned.1.call-start
scs
__scs_entry_jumppad:
0x0: {  	(pc) =	sbr.rel $0x88, $3  }
0x1: {  	(tag) =	ssettag $0x0;
	lr =	simm.s32 $0x1  }
0x2: {  	[smem:$0x3F9E] =	sst lr;
	_ =	strace $0xD0000000  }
0x3: {  	_ = 	snop  }
0x4: {  	_ = 	snop  }
0x5: {  	_ = 	snop  }
0x6: {  	_ = 	snop  }
0x7: {  	_ = 	snop  }
__scs_overlays_trampoline_lowered:
0x8: {  	[smem:$0x3FAD] =	sst s0  }
0x9: {  	[smem:$0x3FAE] =	sst s1  }
0xa: {  	[smem:$0x3FAF] =	sst s2  }
0xb: {  	[smem:$0x3FB0] =	sst s3  }
0xc: {  	[smem:$0x3FB1] =	sst s4  }
0xd: {  	[smem:$0x3FB2] =	sst s5  }
0xe: {  	[smem:$0x3FB3] =	sst s6  }
0xf: {  	[smem:$0x3FB4] =	sst s7  }
0x10: {  	[smem:$0x3FB5] =	sst s8  }
0x11: {  	[smem:$0x3FB6] =	sst s9;
	s0 =	simm.s32 @!p0 $0x0  }
0x12: {  	s1 =	sld [smem:$0x3F9C];
	s0 =	simm.s32 @p0 $0x1  }
0x13: {  	[smem:$0x3FB7] =	sst s0;
	s0 =	simm.s32 @!p1 $0x0  }
0x14: {  	s2 =	sld [smem:$0x3F9B];
	s0 =	simm.s32 @p1 $0x1  }
0x15: {  	[smem:$0x3FB8] =	sst s0;
	s0 =	simm.s32 @!p2 $0x0  }
0x16: {  	s3 =	sld [smem:$0x3FDB];
	s0 =	simm.s32 @p2 $0x1  }
0x17: {  	s4 =	simm.s32 $0x1BF5;
	[smem:$0x3FBA] =	sst s0  }
0x18: {  	s0 =	sld [smem:$0x3F9D];
	_ =	swait.ge [sflag:s4], $0x0  }
0x19: {  	s7 =	sld [smem:$0x3F9E]  }
0x1a: {  	s8 =	sadd.s32 $0xFFFFE003, lr  }
0x1b: {  	s9 =	sadd.s32 $0xFFFFFEF7, lr;
	s5 =	simm.s32 $0xFFFFFFFF;
	p2 =	slt.u32 s8, $0xFFFFF086  }
0x1c: {  	p1 =	slt.u32 s9, $0xF7A;
	s5 =	simm.s32 @!p2 $0x0  }
0x1d: {  	s5 =	simm.s32 @p1 $0x1;
	p0 =	seq.s32 s7, s2  }
0x1e: {  	s7 =	smul.u32 @!p0 $0xF7A, s2;
	p2 =	seq.s32 @!p0 s5, $0x0  }
0x1f: {  	s9 =	smul.u32 $0xF7A, s1;
	s8 =	simm.s32 @!p0 $0x1BF5;
	p2 =	por !p2, p0  }
0x20: {  	[sflag:s8] =	ssyncset.s32 @!p0 $0xFFFFF086;
	s6 =	sadd.s32 @!p0 s3, s7;
	s7 =	simm.s32 @!p0 $0x108  }
0x21: {  	s3 =	sadd.s32 s3, s9;
	s6 =	sadd.s32 @!p0 $0x88, s6;
	s7 =	simm.s32 @p2 $0x1082  }
0x22: {  	[simem:s7], [sflag:s8] =	dma.local @!p0 [hbm:s6], $0xF7A  }
0x23: {  	s9 =	sor.u32 $0xD0000000, s2;
	s6 =	simm.s32 $0x108;
	_ =	swait.ge @!p0 [sflag:s8], $0x0  }
0x24: {  	s3 =	sadd.s32 $0x88, s3;
	s6 =	simm.s32 @!p1 $0x1082;
	[sflag:s4] =	ssyncset.s32 $0xFFFFF086  }
0x25: {  	[simem:s6], [sflag:s4] =	dma.local [hbm:s3], $0xF7A  }
0x26: {  	[smem:$0x3F9E] =	sst s1;
	(tag) =	ssettag s2;
	_ =	strace s9  }
0x27: {  	s1 =	sld [smem:$0x3FAE]  }
0x28: {  	s2 =	sld [smem:$0x3FAF]  }
0x29: {  	s4 =	sld [smem:$0x3FB1]  }
0x2a: {  	p0 =	seq.s32 s5, $0x0;
	s5 =	sld [smem:$0x3FB2]  }
0x2b: {  	s6 =	sld [smem:$0x3FB3]  }
0x2c: {  	s7 =	sld [smem:$0x3FB4]  }
0x2d: {  	s3 =	simm.s32 $0x108;
	s8 =	sld [smem:$0x3FB5]  }
0x2e: {  	s3 =	simm.s32 @!p0 $0x1082;
	s9 =	sld [smem:$0x3FB6]  }
0x2f: {  	lr =	sadd.s32 s0, s3;
	s0 =	sld [smem:$0x3FAD]  }
0x30: {  	s3 =	sld [smem:$0x3FB0]  }
0x31: {  	[smem:$0x3FB9] =	sst s10  }
0x32: {  	s10 =	sld [smem:$0x3FB7];
	_ =	sdelay $0x3  }
0x33: {  	p0 =	seq.s32 s10, $0x1;
	s10 =	sld [smem:$0x3FB9];
	_ =	sdelay $0x3  }
0x34: {  	[smem:$0x3FB9] =	sst s10  }
0x35: {  	s10 =	sld [smem:$0x3FB8];
	_ =	sdelay $0x3  }
0x36: {  	p1 =	seq.s32 s10, $0x1;
	s10 =	sld [smem:$0x3FB9];
	_ =	sdelay $0x3  }
0x37: {  	[smem:$0x3FB9] =	sst s10  }
0x38: {  	s10 =	sld [smem:$0x3FBA]  }
0x39: {  	_ = 	snop;
	(pc) =	sbr.ind lr, $3  }
0x3a: {  	_ = 	snop  }
0x3b: {  	_ = 	snop  }
0x3c: {  	p2 =	seq.s32 s10, $0x1;
	s10 =	sld [smem:$0x3FB9]  }
0x3d: {  	_ =	shalt  }
0x3e: {  	_ =	shalt  }
0x3f: {  	_ =	shalt  }
0x40: {  	_ =	shalt  }
0x41: {  	_ =	shalt  }
0x42: {  	_ =	shalt  }
0x43: {  	_ =	shalt  }
0x44: {  	_ =	shalt  }
0x45: {  	_ =	shalt  }
0x46: {  	_ =	shalt  }
0x47: {  	_ =	shalt  }
0x48: {  	_ =	shalt  }
0x49: {  	_ =	shalt  }
0x4a: {  	_ =	shalt  }
0x4b: {  	_ =	shalt  }
0x4c: {  	_ =	shalt  }
0x4d: {  	_ =	shalt  }
0x4e: {  	_ =	shalt  }
0x4f: {  	_ =	shalt  }
0x50: {  	_ =	shalt  }
0x51: {  	_ =	shalt  }
0x52: {  	_ =	shalt  }
0x53: {  	_ =	shalt  }
0x54: {  	_ =	shalt  }
0x55: {  	_ =	shalt  }
0x56: {  	_ =	shalt  }
0x57: {  	_ =	shalt  }
0x58: {  	_ =	shalt  }
0x59: {  	_ =	shalt  }
0x5a: {  	_ =	shalt  }
0x5b: {  	_ =	shalt  }
0x5c: {  	_ =	shalt  }
0x5d: {  	_ =	shalt  }
0x5e: {  	_ =	shalt  }
0x5f: {  	_ =	shalt  }
0x60: {  	_ =	shalt  }
0x61: {  	_ =	shalt  }
0x62: {  	_ =	shalt  }
0x63: {  	_ =	shalt  }
0x64: {  	_ =	shalt  }
0x65: {  	_ =	shalt  }
0x66: {  	_ =	shalt  }
0x67: {  	_ =	shalt  }
0x68: {  	_ =	shalt  }
0x69: {  	_ =	shalt  }
0x6a: {  	_ =	shalt  }
0x6b: {  	_ =	shalt  }
0x6c: {  	_ =	shalt  }
0x6d: {  	_ =	shalt  }
0x6e: {  	_ =	shalt  }
0x6f: {  	_ =	shalt  }
0x70: {  	_ =	shalt  }
0x71: {  	_ =	shalt  }
0x72: {  	_ =	shalt  }
0x73: {  	_ =	shalt  }
0x74: {  	_ =	shalt  }
0x75: {  	_ =	shalt  }
0x76: {  	_ =	shalt  }
0x77: {  	_ =	shalt  }
0x78: {  	_ =	shalt  }
0x79: {  	_ =	shalt  }
0x7a: {  	_ =	shalt  }
0x7b: {  	_ =	shalt  }
0x7c: {  	_ =	shalt  }
0x7d: {  	_ =	shalt  }
0x7e: {  	_ =	shalt  }
0x7f: {  	_ =	shalt  }
0x80: {  	_ =	shalt  }
0x81: {  	_ =	shalt  }
0x82: {  	_ =	shalt  }
0x83: {  	_ =	shalt  }
0x84: {  	_ =	shalt  }
0x85: {  	_ =	shalt  }
0x86: {  	_ =	shalt  }
0x87: {  	_ =	shalt  }
.Lfunc_end0:
.L_simem_size_0:
called_computation_lowered:
.L_overlay_start_0:
0x88: {  	s2 =	sld [smem:$0x3FD9]  }
0x89: {  	s3 =	sld [smem:$0x3FFE];
	_ =	sdelay $0x1  }
0x8a: {  	s1 =	srdreg.scid  }
0x8b: {  	s0 =	sand.u32 $0x1, s1  }
0x8c: {  	s18 =	sshll.u32 s0, $0xA;
	s2 =	sadd.s32 s3, s2  }
0x8d: {  	s2 =	sadd.s32 s2, s18  }
0x8e: {  	[smem:$0x3FC5] =	sst s2  }
0x8f: {  	_ = 	snop  }
0x90: {  	s2 =	sld [smem:$0x3FC9]  }
0x91: {  	s19 =	sld [smem:$0x3FC8]  }
0x92: {  	s4 =	sld [smem:$0x3FC7]  }
0x93: {  	s5 =	sld [smem:$0x3FD0];
	(tm) =	ssettm $0x1  }
0x94: {  	s6 =	sld [smem:$0x3FFB];
	_ =	sdelay $0x3  }
0x95: {  	_ =	strace s6  }
0x96: {  	s6 =	sld [smem:$0x3FFC];
	_ =	sdelay $0x3  }
0x97: {  	_ =	strace s6  }
0x98: {  	s6 =	sld [smem:$0x3FFD];
	_ =	sdelay $0x3  }
0x99: {  	_ =	strace s6  }
0x9a: {  	_ =	strace $0x8FFFFFFF  }
0x9b: {  	s20 =	sld [smem:$0x3FDB];
	_ =	sdelay $0x1  }
0x9c: {  	s7 =	simm.s32 $_scs_section_size  }
0x9d: {  	s8 =	simm.s32 $_size__tile_overlayer_lowered;
	s9 =	simm.s32 $_tile_overlayer_lowered  }
0x9e: {  	s23 =	simm.s32 $0x1BFF;
	s22 =	sshll.u32 s9, $0x1;
	s6 =	sadd.s32 s7, s20  }
0x9f: {  	s10 =	simm.s32 $0x0;
	s21 =	sshll.u32 s8, $0x1;
	s8 =	sadd.s32 s22, s6  }
0xa0: {  	[timem:s10], [sflag:s23] =	dma.local [hbm:s8], s21  }
0xa1: {  	_ =	swait.ge [sflag:s23], s21  }
0xa2: {  	s7 =	ssub.s32 $0x0, s21;
	[sflag:s23] =	ssyncset.done $0x0  }
0xa3: {  	[sflag:s23] =	ssyncadd.s32 s7;
	_ =	sdelay $0x1  }
0xa4: {  	s24 =	simm.s32 $0x1B8B  }
0xa5: {  	_ =	swait.ge [sflag:s24], $0x1  }
0xa6: {  	[sflag:s24] =	ssyncset.done $0x0  }
0xa7: {  	s25 =	simm.s32 $0x1B8E;
	[sflag:s24] =	ssyncadd.s32 $0xFFFFFFFF  }
0xa8: {  	s26 =	simm.s32 $execute0_lowered;
	[smem:$0x3FD2] =	sst s25  }
0xa9: {  	s7 =	sshll.u32 s26, $0x1;
	_ =	strace $0x80000046;
	[dreg:$0x1] =	wrdreg $0xFFFFFFFF  }
0xaa: {  	s28 =	simm.s32 $_size_execute0_lowered;
	s6 =	sadd.s32 s6, s7;
	[dreg:$0x0] =	wrdreg $0x0  }
0xab: {  	s7 =	sshll.u32 s28, $0x1;
	[dreg:$0x2] =	wrdreg s6  }
0xac: {  	[dreg:$0x3] =	wrdreg s7  }
0xad: {  	[dreg:$0x4] =	wrdreg $0xC0  }
0xae: {  	_ =	task [dreg:s10], $0x5FFFF  }
0xaf: {  	[dreg:$0x1] =	wrdreg $0xFFFFFFFF  }
0xb0: {  	[dreg:$0x0] =	wrdreg $0x60  }
0xb1: {  	[dreg:$0x2] =	wrdreg s2  }
0xb2: {  	[dreg:$0x3] =	wrdreg s19  }
0xb3: {  	[dreg:$0x4] =	wrdreg s4  }
0xb4: {  	[dreg:$0x5] =	wrdreg s5  }
0xb5: {  	[dreg:$0x6] =	wrdreg $0x9  }
0xb6: {  	_ =	task.clear_ibuf [dreg:s10], $0x7FFFF;
	_ =	strace $0x90000046  }
0xb7: {  	s29 =	simm.s32 $0x9;
	_ =	strace $0x80000048  }
0xb8: {  	_ =	swait.ge [sflag:s29], $0x1  }
0xb9: {  	[sflag:s29] =	ssyncadd.s32 $0xFFFFFFFF  }
0xba: {  	_ =	strace $0x90000048  }
0xbb: {  	_ =	sfence  }
0xbc: {  	s30 =	sld [smem:$0x0];
	_ =	sdelay $0x2  }
0xbd: {  	s31 =	sshll.u32 s1, $0xD;
	s1 =	sshrl.u32 s1, $0x2  }
0xbe: {  	s3 =	sand.u32 $0x4000, s31;
	s1 =	sadd.s32 s1, s30  }
0xbf: {  	s0 =	sor.u32 s3, s0;
	s1 =	sshll.u32 s1, $0x11  }
0xc0: {  	s0 =	sor.u32 s1, s0  }
0xc1: {  	s0 =	sadd.s32 $0x8F2B, s0  }
0xc2: {  	[sflag:s0] =	ssyncadd.remote.s32 $0x1  }
0xc3: {  	_ =	sfence.sel $0xFFFF  }
0xc4: {  	[dreg:$0x0] =	wrdreg $0xFFFFFFFF;
	(pc) =	sbr.abs _section_cstart, $3  }
0xc5: {  	[dreg:$0x1] =	wrdreg $0xFFFFFFFF  }
0xc6: {  	_ =	task.clear_ibuf [dreg:s10], $0x2FFFF;
	_ =	strace $0x9FFFFFFF  }
0xc7: {  	(tm) =	ssettm $0x7FFFFFFF  }
tec
execute0_lowered:
.L_overlay_start_1:
0x0: {  	(tag) =	ssettag $0x1  }
0x1: {  	s0 =	rddreg [dreg:$0x1]  }
0x2: {  	s1 =	rddreg [dreg:$0x2]  }
0x3: {  	s3 =	rddreg [dreg:$0x3];
	s2 =	srdreg.scid  }
0x4: {  	s6 =	simm.s32 $0x0;
	s5 =	stileid.u32;
	s17 =	simm.s32 $0x200  }
0x5: {  	s18 =	simm.s32 $0x400;
	s19 =	simm.s32 $0x2280;
	s28 =	simm.s32 $0xA280  }
0x6: {  	s29 =	simm.s32 $0x2;
	s30 =	simm.s32 $0x6;
	s31 =	simm.s32 $0xC280  }
0x7: {  	s20 =	simm.s32 $0x4;
	s9 =	simm.s32 $0x0;
	s2 =	sand.u32 $0x1, s2  }
0x8: {  	s5 =	sshll.u32 s5, $0xA;
	[smem:$0x7FF] =	sst s6;
	s8 =	sadd.s32 $0x40, s1  }
0x9: {  	s13 =	sadd.s32 $0x40, s3;
	s4 =	ssub.s32 $0x2, s2;
	s2 =	sshll.u32 s2, $0x9  }
0xa: {  	_ =	strace $0x80000047;
	s21 =	sshrl.u32 s4, $0x1;
	s5 =	sor.u32 s2, s5  }
0xb: {  	s2 =	simm.s32 $0xE280;
	s22 =	ssub.s32 s4, s21;
	s6 =	sshll.u32 s5, $0x8  }
0xc: {  	s24 =	sshrl.u32 s5, $0x3;
	s21 =	simm.s32 $0x10280;
	s7 =	sadd.s32 s6, s8  }
0xd: {  	s23 =	sadd.s32 s1, s6;
	s0 =	sadd.s32 s0, s24;
	[dreg:$0x6] =	wrdreg s7  }
0xe: {  	s26 =	smax.u32 s22, $0x1;
	s25 =	sadd.s32 $0x800, s23;
	[dreg:$0x8] =	wrdreg s0  }
0xf: {  	s12 =	sadd.s32 $0x1000, s23;
	s14 =	sadd.s32 $0x1040, s23;
	[dreg:$0x5] =	wrdreg s23  }
0x10: {  	s15 =	sadd.s32 $0x1800, s23;
	[dreg:$0x9] =	wrdreg s26;
	s26 =	simm.s32 $0x1  }
0x11: {  	s0 =	simm.s32 $0x3;
	[dreg:$0x7] =	wrdreg s25;
	s25 =	simm.s32 $0x8280  }
.LBB2_1:
0x12: {  	s1 =	rddreg [dreg:$0x5]  }
0x13: {  	[tilespmem:s19], [sflag:$0x1] =	stream.strided.gather [hbm4b:s1+s17], $0x2000, s18, s17, $0x38;
	[tilespmem:$0x12280] =	vst v63  }
0x14: {  	s7 =	rddreg [dreg:$0x6];
	s4 =	simm.s32 $0x4280  }
0x15: {  	[tilespmem:s4], [sflag:$0x2] =	stream.strided.gather [hbm4b:s7+s17], $0x2000, s18, s17, $0x38;
	[tilespmem:$0x12280] =	vst v63  }
0x16: {  	s10 =	rddreg [dreg:$0x7];
	s11 =	simm.s32 $0x6280  }
0x17: {  	[tilespmem:s11], [sflag:$0x3] =	stream.strided.gather [hbm4b:s10+s17], $0x2000, s18, s17, $0x38;
	[tilespmem:$0x12280] =	vst v63  }
0x18: {  	s16 =	rddreg [dreg:$0x0];
	s22 =	simm.s32 $0x0;
	s7 =	simm.s32 $0x9  }
0x19: {  	[tilespmem:s22], [sflag:$0x9] =	stream.linear.gather [hbm4b:s16+s22], $0x1000, $0x38;
	[tilespmem:$0x12280] =	vst v63  }
0x1a: {  	_ =	swait.ge [sflag:s7], $0x1000  }
0x1b: {  	[sflag:s7] =	ssyncset.done $0x0  }
0x1c: {  	s10 =	simm.s32 $0x1000;
	[sflag:s7] =	ssyncadd.s32 $0xFFFFF000  }
0x1d: {  	[tilespmem:s10], [sflag:$0x9] =	stream.linear.gather [hbm4b:s16+s22], $0x1000, $0x38;
	[tilespmem:$0x12280] =	vst v63  }
0x1e: {  	_ =	swait.ge [sflag:s7], $0x1000  }
0x1f: {  	[sflag:s7] =	ssyncset.done $0x0  }
0x20: {  	s24 =	simm.s32 $0x2000;
	s23 =	rddreg [dreg:$0x8];
	[sflag:s7] =	ssyncadd.s32 $0xFFFFF000  }
0x21: {  	[tilespmem:s24], [sflag:$0x9] =	stream.linear.gather [hbm4b:s23+s22], $0x200, $0x38;
	[tilespmem:$0x12280] =	vst v63  }
0x22: {  	_ =	swait.ge [sflag:s7], $0x200  }
0x23: {  	[sflag:s7] =	ssyncset.done $0x0  }
0x24: {  	s10 =	simm.s32 $0x0;
	[sflag:s7] =	ssyncadd.s32 $0xFFFFFE00  }
.LBB2_2:
0x25: {  	s11 =	sshllo.u32 s10, $0x2  }
0x26: {  	s1 =	sshll.u32 s11, $0xA  }
0x27: {  	s1 =	sand.u32 $0x1F800, s1  }
0x28: {  	s1 =	sor.u32 s1, s6  }
0x29: {  	s1 =	sadd.s32 s1, s8  }
0x2a: {  	[tilespmem:s25], [sflag:$0x4] =	stream.strided.gather [hbm4b:s1+s17], $0x2000, s18, s17, $0x38;
	[tilespmem:$0x12280] =	vst v63  }
0x2b: {  	_ =	swait.ge [sflag:s26], $0x2000  }
0x2c: {  	p0 =	seq.s32 s10, $0x0;
	[sflag:s26] =	ssyncset.done $0x0  }
0x2d: {  	s1 =	simm.s32 @!p0 $0x5;
	[sflag:s26] =	ssyncadd.s32 $0xFFFFE000  }
0x2e: {  	_ =	swait.ge @!p0 [sflag:s1], $0x2000  }
0x2f: {  	[sflag:s1] =	ssyncset.done @!p0 $0x0  }
0x30: {  	s16 =	sshll.u32 s10, $0x4;
	[sflag:s1] =	ssyncadd.s32 @!p0 $0xFFFFE000  }
0x31: {  	v0 =	vld [tilespmem:s16+$0x2000];
	_ =	sdelay $0x4  }
0x32: {  	(v2sf) =	vpush v0, $0x0;
	_ =	sdelay $0x9  }
0x33: {  	s7 =	simm.s32 $0x22C0  }
0x34: {  	v1 =	vld [tilespmem:s7+$0x30]  }
0x35: {  	v2 =	vld [tilespmem:s7+$0xFFFFFFC0]  }
0x36: {  	v5 =	vld [tilespmem:s7+$0xFFFFFFD0]  }
0x37: {  	v6 =	vld [tilespmem:s7+$0xFFFFFFE0]  }
0x38: {  	v7 =	vld [tilespmem:s7+$0xFFFFFFF0];
	s24 =	spop (v2sf)  }
0x39: {  	v8 =	vld [tilespmem:s7+$0x0];
	s1 =	sshll.u32 s24, $0x2  }
0x3a: {  	v10 =	vld [tilespmem:s7+$0x10];
	s1 =	sshra.s32 s1, $0x2  }
0x3b: {  	v11 =	vld [tilespmem:s7+$0x20];
	s4 =	sadd.s32 $0x40, s1  }
0x3c: {  	v3 =	vld [tilespmem:s4+$0x30]  }
0x3d: {  	v12 =	vld [tilespmem:s4+$0xFFFFFFD0]  }
0x3e: {  	v13 =	vld [tilespmem:s4+$0xFFFFFFE0]  }
0x3f: {  	v9 =	vmul.f32 $1.000000010e-01, v1;
	v4 =	vld [tilespmem:s4+$0xFFFFFFF0]  }
0x40: {  	v1 =	vmul.f32 $1.000000010e-01, v2;
	v14 =	vmul.f32 $1.000000010e-01, v5;
	v2 =	vld [tilespmem:s4+$0x0]  }
0x41: {  	v16 =	vmul.f32 $1.000000010e-01, v6;
	v15 =	vadd.f32 v9, v3;
	v3 =	vld [tilespmem:s4+$0x10]  }
0x42: {  	s23 =	simm.s32 $0xA2C0;
	v8 =	vmul.f32 $1.000000010e-01, v8;
	v6 =	vld [tilespmem:s4+$0x20];
	v9 =	vmul.f32 $1.000000010e-01, v7;
	v12 =	vadd.f32 v14, v12  }
0x43: {  	s7 =	sor.u32 s5, s16;
	v5 =	vmul.f32 $1.000000010e-01, v10;
	s24 =	simm.s32 $0x0;
	s1 =	simm.s32 $0x24C0;
	v10 =	vld [tilespmem:s4+$0xFFFFFFC0];
	v7 =	vmul.f32 $1.000000010e-01, v11;
	v11 =	vadd.f32 v16, v13;
	[tilespmem:s23+$0x30] =	vst v15  }
.LBB2_3:
0x44: {  	v13 =	vld [tilespmem:s1+$0x30];
	s24 =	sadd.s32 $0x80, s24;
	[tilespmem:s23+$0xFFFFFFD0] =	vst v12;
	v4 =	vadd.f32 v9, v4  }
0x45: {  	s4 =	sadd.s32 $0x80, s4;
	v9 =	vld [tilespmem:s1+$0xFFFFFFC0];
	p1 =	slt.u32 s24, $0x780;
	[tilespmem:s23+$0xFFFFFFE0] =	vst v11;
	v2 =	vadd.f32 v8, v2  }
0x46: {  	v8 =	vld [tilespmem:s4+$0x30];
	[tilespmem:s23+$0xFFFFFFF0] =	vst v4;
	v3 =	vadd.f32 v5, v3  }
0x47: {  	v4 =	vld [tilespmem:s1+$0xFFFFFFD0];
	[tilespmem:s23+$0x0] =	vst v2;
	v2 =	vadd.f32 v7, v6  }
0x48: {  	v5 =	vld [tilespmem:s1+$0xFFFFFFE0];
	v6 =	vadd.f32 v1, v10;
	[tilespmem:s23+$0x10] =	vst v3  }
0x49: {  	v3 =	vld [tilespmem:s1+$0xFFFFFFF0];
	v7 =	vmul.f32 $1.000000010e-01, v13;
	[tilespmem:s23+$0x20] =	vst v2  }
0x4a: {  	v1 =	vmul.f32 $1.000000010e-01, v9;
	v2 =	vld [tilespmem:s1+$0x0];
	[tilespmem:s23+$0xFFFFFFC0] =	vst v6  }
0x4b: {  	v6 =	vld [tilespmem:s1+$0x10];
	v7 =	vadd.f32 v7, v8  }
0x4c: {  	s23 =	sadd.s32 $0x200, s23;
	v10 =	vmul.f32 $1.000000010e-01, v4;
	v11 =	vld [tilespmem:s1+$0x20]  }
0x4d: {  	v12 =	vld [tilespmem:s4+$0xFFFFFFD0];
	v13 =	vmul.f32 $1.000000010e-01, v5;
	[tilespmem:s23+$0x30] =	vst v7  }
0x4e: {  	v14 =	vld [tilespmem:s4+$0xFFFFFFE0];
	v9 =	vmul.f32 $1.000000010e-01, v3  }
.Ltmp0:
0x4f: {  	v4 =	vld [tilespmem:s4+$0xFFFFFFF0];
	v8 =	vmul.f32 $1.000000010e-01, v2;
	(pc) =	sbr.rel @p1 .LBB2_3-.Ltmp0, $4  }
0x50: {  	v2 =	vld [tilespmem:s4+$0x0];
	v5 =	vmul.f32 $1.000000010e-01, v6  }
0x51: {  	v3 =	vld [tilespmem:s4+$0x10];
	v7 =	vmul.f32 $1.000000010e-01, v11  }
0x52: {  	v12 =	vadd.f32 v10, v12;
	v6 =	vld [tilespmem:s4+$0x20]  }
0x53: {  	s1 =	sadd.s32 $0x200, s1;
	v10 =	vld [tilespmem:s4+$0xFFFFFFC0];
	v11 =	vadd.f32 v13, v14  }
0x54: {  	(v2sf) =	vpush v0, $0x1;
	_ =	sdelay $0x3  }
0x55: {  	[tilespmem:s23+$0xFFFFFFD0] =	vst v12;
	v4 =	vadd.f32 v9, v4  }
0x56: {  	[tilespmem:s23+$0xFFFFFFE0] =	vst v11;
	v2 =	vadd.f32 v8, v2  }
0x57: {  	[tilespmem:s23+$0xFFFFFFF0] =	vst v4;
	v3 =	vadd.f32 v5, v3  }
0x58: {  	[tilespmem:s23+$0x0] =	vst v2;
	v2 =	vadd.f32 v7, v6  }
0x59: {  	v1 =	vadd.f32 v1, v10;
	[tilespmem:s23+$0x10] =	vst v3  }
0x5a: {  	[tilespmem:s23+$0x20] =	vst v2  }
0x5b: {  	s24 =	simm.s32 $0x2370;
	[tilespmem:s23+$0xFFFFFFC0] =	vst v1  }
0x5c: {  	v1 =	vld [tilespmem:s24+$0x0]  }
0x5d: {  	v2 =	vld [tilespmem:s24+$0xFFFFFF90]  }
0x5e: {  	v5 =	vld [tilespmem:s24+$0xFFFFFFA0]  }
0x5f: {  	v6 =	vld [tilespmem:s24+$0xFFFFFFB0]  }
0x60: {  	v7 =	vld [tilespmem:s24+$0xFFFFFFC0];
	s1 =	spop (v2sf)  }
0x61: {  	v8 =	vld [tilespmem:s24+$0xFFFFFFD0];
	s1 =	sshll.u32 s1, $0x2  }
0x62: {  	v10 =	vld [tilespmem:s24+$0xFFFFFFE0];
	s1 =	sshra.s32 s1, $0x2  }
0x63: {  	v11 =	vld [tilespmem:s24+$0xFFFFFFF0];
	s4 =	sadd.s32 $0x40, s1  }
0x64: {  	v3 =	vld [tilespmem:s4+$0x30]  }
0x65: {  	v12 =	vld [tilespmem:s4+$0xFFFFFFD0]  }
0x66: {  	v13 =	vld [tilespmem:s4+$0xFFFFFFE0]  }
0x67: {  	v9 =	vmul.f32 $1.000000010e-01, v1;
	v4 =	vld [tilespmem:s4+$0xFFFFFFF0]  }
0x68: {  	v1 =	vmul.f32 $1.000000010e-01, v2;
	v14 =	vmul.f32 $1.000000010e-01, v5;
	v2 =	vld [tilespmem:s4+$0x0]  }
0x69: {  	v16 =	vmul.f32 $1.000000010e-01, v6;
	v15 =	vadd.f32 v9, v3;
	v3 =	vld [tilespmem:s4+$0x10]  }
0x6a: {  	s23 =	simm.s32 $0xA370;
	v8 =	vmul.f32 $1.000000010e-01, v8;
	v6 =	vld [tilespmem:s4+$0x20];
	v9 =	vmul.f32 $1.000000010e-01, v7;
	v12 =	vadd.f32 v14, v12  }
0x6b: {  	s24 =	simm.s32 $0x0;
	v5 =	vmul.f32 $1.000000010e-01, v10;
	s1 =	simm.s32 $0x2570;
	v10 =	vld [tilespmem:s4+$0xFFFFFFC0];
	v7 =	vmul.f32 $1.000000010e-01, v11;
	v11 =	vadd.f32 v16, v13;
	[tilespmem:s23+$0x0] =	vst v15  }
.LBB2_5:
0x6c: {  	v13 =	vld [tilespmem:s1+$0x0];
	s24 =	sadd.s32 $0x80, s24;
	[tilespmem:s23+$0xFFFFFFA0] =	vst v12;
	v4 =	vadd.f32 v9, v4  }
0x6d: {  	s4 =	sadd.s32 $0x80, s4;
	v9 =	vld [tilespmem:s1+$0xFFFFFF90];
	p1 =	slt.u32 s24, $0x780;
	[tilespmem:s23+$0xFFFFFFB0] =	vst v11;
	v2 =	vadd.f32 v8, v2  }
0x6e: {  	v8 =	vld [tilespmem:s4+$0x30];
	[tilespmem:s23+$0xFFFFFFC0] =	vst v4;
	v3 =	vadd.f32 v5, v3  }
0x6f: {  	v4 =	vld [tilespmem:s1+$0xFFFFFFA0];
	[tilespmem:s23+$0xFFFFFFD0] =	vst v2;
	v2 =	vadd.f32 v7, v6  }
0x70: {  	v5 =	vld [tilespmem:s1+$0xFFFFFFB0];
	v6 =	vadd.f32 v1, v10;
	[tilespmem:s23+$0xFFFFFFE0] =	vst v3  }
0x71: {  	v3 =	vld [tilespmem:s1+$0xFFFFFFC0];
	v7 =	vmul.f32 $1.000000010e-01, v13;
	[tilespmem:s23+$0xFFFFFFF0] =	vst v2  }
0x72: {  	v1 =	vmul.f32 $1.000000010e-01, v9;
	v2 =	vld [tilespmem:s1+$0xFFFFFFD0];
	[tilespmem:s23+$0xFFFFFF90] =	vst v6  }
0x73: {  	v6 =	vld [tilespmem:s1+$0xFFFFFFE0];
	v7 =	vadd.f32 v7, v8  }
0x74: {  	s23 =	sadd.s32 $0x200, s23;
	v10 =	vmul.f32 $1.000000010e-01, v4;
	v11 =	vld [tilespmem:s1+$0xFFFFFFF0]  }
0x75: {  	v12 =	vld [tilespmem:s4+$0xFFFFFFD0];
	v13 =	vmul.f32 $1.000000010e-01, v5;
	[tilespmem:s23+$0x0] =	vst v7  }
0x76: {  	v14 =	vld [tilespmem:s4+$0xFFFFFFE0];
	v9 =	vmul.f32 $1.000000010e-01, v3  }
.Ltmp1:
0x77: {  	v4 =	vld [tilespmem:s4+$0xFFFFFFF0];
	v8 =	vmul.f32 $1.000000010e-01, v2;
	(pc) =	sbr.rel @p1 .LBB2_5-.Ltmp1, $4  }
0x78: {  	v2 =	vld [tilespmem:s4+$0x0];
	v5 =	vmul.f32 $1.000000010e-01, v6  }
0x79: {  	v3 =	vld [tilespmem:s4+$0x10];
	v7 =	vmul.f32 $1.000000010e-01, v11  }
0x7a: {  	v12 =	vadd.f32 v10, v12;
	v6 =	vld [tilespmem:s4+$0x20]  }
0x7b: {  	s1 =	sadd.s32 $0x200, s1;
	v10 =	vld [tilespmem:s4+$0xFFFFFFC0];
	v11 =	vadd.f32 v13, v14  }
0x7c: {  	(v2sf) =	vpush v0, $0x2;
	_ =	sdelay $0x3  }
0x7d: {  	[tilespmem:s23+$0xFFFFFFA0] =	vst v12;
	v4 =	vadd.f32 v9, v4  }
0x7e: {  	[tilespmem:s23+$0xFFFFFFB0] =	vst v11;
	v2 =	vadd.f32 v8, v2  }
0x7f: {  	[tilespmem:s23+$0xFFFFFFC0] =	vst v4;
	v3 =	vadd.f32 v5, v3  }
0x80: {  	[tilespmem:s23+$0xFFFFFFD0] =	vst v2;
	v2 =	vadd.f32 v7, v6  }
0x81: {  	v1 =	vadd.f32 v1, v10;
	[tilespmem:s23+$0xFFFFFFE0] =	vst v3  }
0x82: {  	[tilespmem:s23+$0xFFFFFFF0] =	vst v2  }
0x83: {  	s24 =	simm.s32 $0x23F0;
	[tilespmem:s23+$0xFFFFFF90] =	vst v1  }
0x84: {  	v1 =	vld [tilespmem:s24+$0x0]  }
0x85: {  	v2 =	vld [tilespmem:s24+$0xFFFFFF90]  }
0x86: {  	v5 =	vld [tilespmem:s24+$0xFFFFFFA0]  }
0x87: {  	v6 =	vld [tilespmem:s24+$0xFFFFFFB0]  }
0x88: {  	v7 =	vld [tilespmem:s24+$0xFFFFFFC0];
	s1 =	spop (v2sf)  }
0x89: {  	v8 =	vld [tilespmem:s24+$0xFFFFFFD0];
	s1 =	sshll.u32 s1, $0x2  }
0x8a: {  	v10 =	vld [tilespmem:s24+$0xFFFFFFE0];
	s1 =	sshra.s32 s1, $0x2  }
0x8b: {  	v11 =	vld [tilespmem:s24+$0xFFFFFFF0];
	s4 =	sadd.s32 $0x40, s1  }
0x8c: {  	v3 =	vld [tilespmem:s4+$0x30]  }
0x8d: {  	v12 =	vld [tilespmem:s4+$0xFFFFFFD0]  }
0x8e: {  	v13 =	vld [tilespmem:s4+$0xFFFFFFE0]  }
0x8f: {  	v9 =	vmul.f32 $1.000000010e-01, v1;
	v4 =	vld [tilespmem:s4+$0xFFFFFFF0]  }
0x90: {  	v1 =	vmul.f32 $1.000000010e-01, v2;
	v14 =	vmul.f32 $1.000000010e-01, v5;
	v2 =	vld [tilespmem:s4+$0x0]  }
0x91: {  	v16 =	vmul.f32 $1.000000010e-01, v6;
	v15 =	vadd.f32 v9, v3;
	v3 =	vld [tilespmem:s4+$0x10]  }
0x92: {  	s23 =	simm.s32 $0xA3F0;
	v8 =	vmul.f32 $1.000000010e-01, v8;
	v6 =	vld [tilespmem:s4+$0x20];
	v9 =	vmul.f32 $1.000000010e-01, v7;
	v12 =	vadd.f32 v14, v12  }
0x93: {  	s24 =	simm.s32 $0x0;
	v5 =	vmul.f32 $1.000000010e-01, v10;
	s1 =	simm.s32 $0x25F0;
	v10 =	vld [tilespmem:s4+$0xFFFFFFC0];
	v7 =	vmul.f32 $1.000000010e-01, v11;
	v11 =	vadd.f32 v16, v13;
	[tilespmem:s23+$0x0] =	vst v15  }
.LBB2_7:
0x94: {  	v13 =	vld [tilespmem:s1+$0x0];
	s24 =	sadd.s32 $0x80, s24;
	[tilespmem:s23+$0xFFFFFFA0] =	vst v12;
	v4 =	vadd.f32 v9, v4  }
0x95: {  	s4 =	sadd.s32 $0x80, s4;
	v9 =	vld [tilespmem:s1+$0xFFFFFF90];
	p1 =	slt.u32 s24, $0x780;
	[tilespmem:s23+$0xFFFFFFB0] =	vst v11;
	v2 =	vadd.f32 v8, v2  }
0x96: {  	v8 =	vld [tilespmem:s4+$0x30];
	[tilespmem:s23+$0xFFFFFFC0] =	vst v4;
	v3 =	vadd.f32 v5, v3  }
0x97: {  	v4 =	vld [tilespmem:s1+$0xFFFFFFA0];
	[tilespmem:s23+$0xFFFFFFD0] =	vst v2;
	v2 =	vadd.f32 v7, v6  }
0x98: {  	v5 =	vld [tilespmem:s1+$0xFFFFFFB0];
	v6 =	vadd.f32 v1, v10;
	[tilespmem:s23+$0xFFFFFFE0] =	vst v3  }
0x99: {  	v3 =	vld [tilespmem:s1+$0xFFFFFFC0];
	v7 =	vmul.f32 $1.000000010e-01, v13;
	[tilespmem:s23+$0xFFFFFFF0] =	vst v2  }
0x9a: {  	v1 =	vmul.f32 $1.000000010e-01, v9;
	v2 =	vld [tilespmem:s1+$0xFFFFFFD0];
	[tilespmem:s23+$0xFFFFFF90] =	vst v6  }
0x9b: {  	v6 =	vld [tilespmem:s1+$0xFFFFFFE0];
	v7 =	vadd.f32 v7, v8  }
0x9c: {  	s23 =	sadd.s32 $0x200, s23;
	v10 =	vmul.f32 $1.000000010e-01, v4;
	v11 =	vld [tilespmem:s1+$0xFFFFFFF0]  }
0x9d: {  	v12 =	vld [tilespmem:s4+$0xFFFFFFD0];
	v13 =	vmul.f32 $1.000000010e-01, v5;
	[tilespmem:s23+$0x0] =	vst v7  }
0x9e: {  	v14 =	vld [tilespmem:s4+$0xFFFFFFE0];
	v9 =	vmul.f32 $1.000000010e-01, v3  }
.Ltmp2:
0x9f: {  	v4 =	vld [tilespmem:s4+$0xFFFFFFF0];
	v8 =	vmul.f32 $1.000000010e-01, v2;
	(pc) =	sbr.rel @p1 .LBB2_7-.Ltmp2, $4  }
0xa0: {  	v2 =	vld [tilespmem:s4+$0x0];
	v5 =	vmul.f32 $1.000000010e-01, v6  }
0xa1: {  	v3 =	vld [tilespmem:s4+$0x10];
	v7 =	vmul.f32 $1.000000010e-01, v11  }
0xa2: {  	v12 =	vadd.f32 v10, v12;
	v6 =	vld [tilespmem:s4+$0x20]  }
0xa3: {  	s1 =	sadd.s32 $0x200, s1;
	v10 =	vld [tilespmem:s4+$0xFFFFFFC0];
	v11 =	vadd.f32 v13, v14  }
0xa4: {  	(v2sf) =	vpush v0, $0x3;
	_ =	sdelay $0x3  }
0xa5: {  	[tilespmem:s23+$0xFFFFFFA0] =	vst v12;
	v0 =	vadd.f32 v9, v4  }
0xa6: {  	[tilespmem:s23+$0xFFFFFFB0] =	vst v11;
	v2 =	vadd.f32 v8, v2  }
0xa7: {  	[tilespmem:s23+$0xFFFFFFC0] =	vst v0;
	v0 =	vadd.f32 v5, v3  }
0xa8: {  	[tilespmem:s23+$0xFFFFFFD0] =	vst v2;
	v2 =	vadd.f32 v7, v6  }
0xa9: {  	v1 =	vadd.f32 v1, v10;
	[tilespmem:s23+$0xFFFFFFE0] =	vst v0  }
0xaa: {  	[tilespmem:s23+$0xFFFFFFF0] =	vst v2  }
0xab: {  	s24 =	simm.s32 $0x2470;
	[tilespmem:s23+$0xFFFFFF90] =	vst v1  }
0xac: {  	v0 =	vld [tilespmem:s24+$0x0]  }
0xad: {  	v1 =	vld [tilespmem:s24+$0xFFFFFF90]  }
0xae: {  	v4 =	vld [tilespmem:s24+$0xFFFFFFA0]  }
0xaf: {  	v5 =	vld [tilespmem:s24+$0xFFFFFFB0]  }
0xb0: {  	v6 =	vld [tilespmem:s24+$0xFFFFFFC0];
	s1 =	spop (v2sf)  }
0xb1: {  	v7 =	vld [tilespmem:s24+$0xFFFFFFD0];
	s1 =	sshll.u32 s1, $0x2  }
0xb2: {  	v9 =	vld [tilespmem:s24+$0xFFFFFFE0];
	s1 =	sshra.s32 s1, $0x2  }
0xb3: {  	v10 =	vld [tilespmem:s24+$0xFFFFFFF0];
	s4 =	sadd.s32 $0x40, s1  }
0xb4: {  	v2 =	vld [tilespmem:s4+$0x30]  }
0xb5: {  	v11 =	vld [tilespmem:s4+$0xFFFFFFD0]  }
0xb6: {  	v12 =	vld [tilespmem:s4+$0xFFFFFFE0]  }
0xb7: {  	v8 =	vmul.f32 $1.000000010e-01, v0;
	v3 =	vld [tilespmem:s4+$0xFFFFFFF0]  }
0xb8: {  	v0 =	vmul.f32 $1.000000010e-01, v1;
	v13 =	vmul.f32 $1.000000010e-01, v4;
	v1 =	vld [tilespmem:s4+$0x0]  }
0xb9: {  	v15 =	vmul.f32 $1.000000010e-01, v5;
	v14 =	vadd.f32 v8, v2;
	v2 =	vld [tilespmem:s4+$0x10]  }
0xba: {  	s23 =	simm.s32 $0xA470;
	v7 =	vmul.f32 $1.000000010e-01, v7;
	v5 =	vld [tilespmem:s4+$0x20];
	v8 =	vmul.f32 $1.000000010e-01, v6;
	v11 =	vadd.f32 v13, v11  }
0xbb: {  	s24 =	simm.s32 $0x0;
	v4 =	vmul.f32 $1.000000010e-01, v9;
	s1 =	simm.s32 $0x2670;
	v9 =	vld [tilespmem:s4+$0xFFFFFFC0];
	v6 =	vmul.f32 $1.000000010e-01, v10;
	v10 =	vadd.f32 v15, v12;
	[tilespmem:s23+$0x0] =	vst v14  }
.LBB2_9:
0xbc: {  	v12 =	vld [tilespmem:s1+$0x0];
	s24 =	sadd.s32 $0x80, s24;
	[tilespmem:s23+$0xFFFFFFA0] =	vst v11;
	v3 =	vadd.f32 v8, v3  }
0xbd: {  	s4 =	sadd.s32 $0x80, s4;
	v8 =	vld [tilespmem:s1+$0xFFFFFF90];
	p1 =	slt.u32 s24, $0x780;
	[tilespmem:s23+$0xFFFFFFB0] =	vst v10;
	v1 =	vadd.f32 v7, v1  }
0xbe: {  	v7 =	vld [tilespmem:s4+$0x30];
	[tilespmem:s23+$0xFFFFFFC0] =	vst v3;
	v2 =	vadd.f32 v4, v2  }
0xbf: {  	v3 =	vld [tilespmem:s1+$0xFFFFFFA0];
	[tilespmem:s23+$0xFFFFFFD0] =	vst v1;
	v1 =	vadd.f32 v6, v5  }
0xc0: {  	v4 =	vld [tilespmem:s1+$0xFFFFFFB0];
	v5 =	vadd.f32 v0, v9;
	[tilespmem:s23+$0xFFFFFFE0] =	vst v2  }
0xc1: {  	v2 =	vld [tilespmem:s1+$0xFFFFFFC0];
	v6 =	vmul.f32 $1.000000010e-01, v12;
	[tilespmem:s23+$0xFFFFFFF0] =	vst v1  }
0xc2: {  	v0 =	vmul.f32 $1.000000010e-01, v8;
	v1 =	vld [tilespmem:s1+$0xFFFFFFD0];
	[tilespmem:s23+$0xFFFFFF90] =	vst v5  }
0xc3: {  	v5 =	vld [tilespmem:s1+$0xFFFFFFE0];
	v6 =	vadd.f32 v6, v7  }
0xc4: {  	s23 =	sadd.s32 $0x200, s23;
	v9 =	vmul.f32 $1.000000010e-01, v3;
	v10 =	vld [tilespmem:s1+$0xFFFFFFF0]  }
0xc5: {  	v11 =	vld [tilespmem:s4+$0xFFFFFFD0];
	v12 =	vmul.f32 $1.000000010e-01, v4;
	[tilespmem:s23+$0x0] =	vst v6  }
0xc6: {  	v13 =	vld [tilespmem:s4+$0xFFFFFFE0];
	v8 =	vmul.f32 $1.000000010e-01, v2  }
.Ltmp3:
0xc7: {  	v3 =	vld [tilespmem:s4+$0xFFFFFFF0];
	v7 =	vmul.f32 $1.000000010e-01, v1;
	(pc) =	sbr.rel @p1 .LBB2_9-.Ltmp3, $4  }
0xc8: {  	v1 =	vld [tilespmem:s4+$0x0];
	v4 =	vmul.f32 $1.000000010e-01, v5  }
0xc9: {  	v2 =	vld [tilespmem:s4+$0x10];
	v6 =	vmul.f32 $1.000000010e-01, v10  }
0xca: {  	v11 =	vadd.f32 v9, v11;
	v5 =	vld [tilespmem:s4+$0x20]  }
0xcb: {  	s1 =	sadd.s32 $0x200, s1;
	v9 =	vld [tilespmem:s4+$0xFFFFFFC0];
	v10 =	vadd.f32 v12, v13  }
0xcc: {  	[tilespmem:s23+$0xFFFFFFA0] =	vst v11;
	v3 =	vadd.f32 v8, v3  }
0xcd: {  	[tilespmem:s23+$0xFFFFFFB0] =	vst v10;
	v1 =	vadd.f32 v7, v1  }
0xce: {  	p1 =	sne.s32 s10, $0x1F;
	[tilespmem:s23+$0xFFFFFFC0] =	vst v3;
	v2 =	vadd.f32 v4, v2  }
.Ltmp4:
0xcf: {  	[tilespmem:s23+$0xFFFFFFD0] =	vst v1;
	v63 =	vadd.f32 v6, v5;
	(pc) =	sbr.rel @p1 .LBB2_12-.Ltmp4, $4  }
0xd0: {  	v0 =	vadd.f32 v0, v9;
	[tilespmem:s23+$0xFFFFFFE0] =	vst v2  }
0xd1: {  	s7 =	sshll.u32 s7, $0x8;
	[tilespmem:s23+$0xFFFFFFF0] =	vst v63  }
0xd2: {  	s1 =	sadd.s32 s3, s7;
	[tilespmem:s23+$0xFFFFFF90] =	vst v0  }
0xd3: {  	[hbm4b:s1+s17] =	stream.strided.scatter [tilespmem:s28], [sflag:$0x5], $0x2000, s18, s17, $0x38;
	[tilespmem:$0x12280] =	vst v63  }
.Ltmp5:
0xd4: {  	(pc) =	sbr.rel .LBB2_13-.Ltmp5, $4  }
0xd5: {  	_ = 	snop  }
0xd6: {  	_ =	swait.ge [sflag:s29], $0x2000  }
0xd7: {  	[sflag:s29] =	ssyncset.done $0x0  }
0xd8: {  	[sflag:s29] =	ssyncadd.s32 $0xFFFFE000  }
.LBB2_12:
0xd9: {  	s1 =	sshll.u32 s10, $0xC  }
.Ltmp6:
0xda: {  	s1 =	sadd.s32 s1, s12;
	(pc) =	sbr.rel @p0 .LBB2_14-.Ltmp6, $4  }
0xdb: {  	[tilespmem:s19], [sflag:$0x1] =	stream.strided.gather [hbm4b:s1+s17], $0x2000, s18, s17, $0x38;
	[tilespmem:$0x12280] =	vst v63  }
0xdc: {  	_ =	swait.ge [sflag:s29], $0x2000  }
0xdd: {  	[sflag:s29] =	ssyncset.done $0x0  }
0xde: {  	[sflag:s29] =	ssyncadd.s32 $0xFFFFE000  }
.LBB2_13:
0xdf: {  	_ =	swait.ge [sflag:s30], $0x2000  }
0xe0: {  	[sflag:s30] =	ssyncset.done $0x0  }
0xe1: {  	[sflag:s30] =	ssyncadd.s32 $0xFFFFE000  }
.LBB2_14:
0xe2: {  	v0 =	vld [tilespmem:s16+$0x2004];
	_ =	sdelay $0x4  }
0xe3: {  	(v2sf) =	vpush v0, $0x0;
	_ =	sdelay $0x9  }
0xe4: {  	s23 =	simm.s32 $0x42F0  }
0xe5: {  	v1 =	vld [tilespmem:s23+$0x0]  }
0xe6: {  	v2 =	vld [tilespmem:s23+$0xFFFFFF90]  }
0xe7: {  	v5 =	vld [tilespmem:s23+$0xFFFFFFA0]  }
0xe8: {  	v6 =	vld [tilespmem:s23+$0xFFFFFFB0]  }
0xe9: {  	v7 =	vld [tilespmem:s23+$0xFFFFFFC0];
	s1 =	spop (v2sf)  }
0xea: {  	v8 =	vld [tilespmem:s23+$0xFFFFFFD0];
	s1 =	sshll.u32 s1, $0x2  }
0xeb: {  	v10 =	vld [tilespmem:s23+$0xFFFFFFE0];
	s1 =	sshra.s32 s1, $0x2  }
0xec: {  	v11 =	vld [tilespmem:s23+$0xFFFFFFF0];
	s4 =	sadd.s32 $0x40, s1  }
0xed: {  	v3 =	vld [tilespmem:s4+$0x30]  }
0xee: {  	v12 =	vld [tilespmem:s4+$0xFFFFFFD0]  }
0xef: {  	v13 =	vld [tilespmem:s4+$0xFFFFFFE0]  }
0xf0: {  	v9 =	vmul.f32 $1.000000010e-01, v1;
	v4 =	vld [tilespmem:s4+$0xFFFFFFF0]  }
0xf1: {  	v1 =	vmul.f32 $1.000000010e-01, v2;
	v14 =	vmul.f32 $1.000000010e-01, v5;
	v2 =	vld [tilespmem:s4+$0x0]  }
0xf2: {  	v16 =	vmul.f32 $1.000000010e-01, v6;
	v15 =	vadd.f32 v9, v3;
	v3 =	vld [tilespmem:s4+$0x10]  }
0xf3: {  	s23 =	simm.s32 $0xC2F0;
	v8 =	vmul.f32 $1.000000010e-01, v8;
	v6 =	vld [tilespmem:s4+$0x20];
	v9 =	vmul.f32 $1.000000010e-01, v7;
	v12 =	vadd.f32 v14, v12  }
0xf4: {  	s24 =	simm.s32 $0x0;
	v5 =	vmul.f32 $1.000000010e-01, v10;
	s1 =	simm.s32 $0x44F0;
	v10 =	vld [tilespmem:s4+$0xFFFFFFC0];
	v7 =	vmul.f32 $1.000000010e-01, v11;
	v11 =	vadd.f32 v16, v13;
	[tilespmem:s23+$0x0] =	vst v15  }
.LBB2_15:
0xf5: {  	v13 =	vld [tilespmem:s1+$0x0];
	s24 =	sadd.s32 $0x80, s24;
	[tilespmem:s23+$0xFFFFFFA0] =	vst v12;
	v4 =	vadd.f32 v9, v4  }
0xf6: {  	s4 =	sadd.s32 $0x80, s4;
	v9 =	vld [tilespmem:s1+$0xFFFFFF90];
	p1 =	slt.u32 s24, $0x780;
	[tilespmem:s23+$0xFFFFFFB0] =	vst v11;
	v2 =	vadd.f32 v8, v2  }
0xf7: {  	v8 =	vld [tilespmem:s4+$0x30];
	[tilespmem:s23+$0xFFFFFFC0] =	vst v4;
	v3 =	vadd.f32 v5, v3  }
0xf8: {  	v4 =	vld [tilespmem:s1+$0xFFFFFFA0];
	[tilespmem:s23+$0xFFFFFFD0] =	vst v2;
	v2 =	vadd.f32 v7, v6  }
0xf9: {  	v5 =	vld [tilespmem:s1+$0xFFFFFFB0];
	v6 =	vadd.f32 v1, v10;
	[tilespmem:s23+$0xFFFFFFE0] =	vst v3  }
0xfa: {  	v3 =	vld [tilespmem:s1+$0xFFFFFFC0];
	v7 =	vmul.f32 $1.000000010e-01, v13;
	[tilespmem:s23+$0xFFFFFFF0] =	vst v2  }
0xfb: {  	v1 =	vmul.f32 $1.000000010e-01, v9;
	v2 =	vld [tilespmem:s1+$0xFFFFFFD0];
	[tilespmem:s23+$0xFFFFFF90] =	vst v6  }
0xfc: {  	v6 =	vld [tilespmem:s1+$0xFFFFFFE0];
	v7 =	vadd.f32 v7, v8  }
0xfd: {  	s23 =	sadd.s32 $0x200, s23;
	v10 =	vmul.f32 $1.000000010e-01, v4;
	v11 =	vld [tilespmem:s1+$0xFFFFFFF0]  }
0xfe: {  	v12 =	vld [tilespmem:s4+$0xFFFFFFD0];
	v13 =	vmul.f32 $1.000000010e-01, v5;
	[tilespmem:s23+$0x0] =	vst v7  }
0xff: {  	v14 =	vld [tilespmem:s4+$0xFFFFFFE0];
	v9 =	vmul.f32 $1.000000010e-01, v3  }
.Ltmp7:
0x100: {  	v4 =	vld [tilespmem:s4+$0xFFFFFFF0];
	v8 =	vmul.f32 $1.000000010e-01, v2;
	(pc) =	sbr.rel @p1 .LBB2_15-.Ltmp7, $4  }
0x101: {  	v2 =	vld [tilespmem:s4+$0x0];
	v5 =	vmul.f32 $1.000000010e-01, v6  }
0x102: {  	v3 =	vld [tilespmem:s4+$0x10];
	v7 =	vmul.f32 $1.000000010e-01, v11  }
0x103: {  	v12 =	vadd.f32 v10, v12;
	v6 =	vld [tilespmem:s4+$0x20]  }
0x104: {  	s1 =	sadd.s32 $0x200, s1;
	v10 =	vld [tilespmem:s4+$0xFFFFFFC0];
	v11 =	vadd.f32 v13, v14  }
0x105: {  	(v2sf) =	vpush v0, $0x1;
	_ =	sdelay $0x3  }
0x106: {  	[tilespmem:s23+$0xFFFFFFA0] =	vst v12;
	v4 =	vadd.f32 v9, v4  }
0x107: {  	[tilespmem:s23+$0xFFFFFFB0] =	vst v11;
	v2 =	vadd.f32 v8, v2  }
0x108: {  	[tilespmem:s23+$0xFFFFFFC0] =	vst v4;
	v3 =	vadd.f32 v5, v3  }
0x109: {  	[tilespmem:s23+$0xFFFFFFD0] =	vst v2;
	v2 =	vadd.f32 v7, v6  }
0x10a: {  	v1 =	vadd.f32 v1, v10;
	[tilespmem:s23+$0xFFFFFFE0] =	vst v3  }
0x10b: {  	[tilespmem:s23+$0xFFFFFFF0] =	vst v2  }
0x10c: {  	s24 =	simm.s32 $0x4370;
	[tilespmem:s23+$0xFFFFFF90] =	vst v1  }
0x10d: {  	v1 =	vld [tilespmem:s24+$0x0]  }
0x10e: {  	v2 =	vld [tilespmem:s24+$0xFFFFFF90]  }
0x10f: {  	v5 =	vld [tilespmem:s24+$0xFFFFFFA0]  }
0x110: {  	v6 =	vld [tilespmem:s24+$0xFFFFFFB0]  }
0x111: {  	v7 =	vld [tilespmem:s24+$0xFFFFFFC0];
	s1 =	spop (v2sf)  }
0x112: {  	v8 =	vld [tilespmem:s24+$0xFFFFFFD0];
	s1 =	sshll.u32 s1, $0x2  }
0x113: {  	v10 =	vld [tilespmem:s24+$0xFFFFFFE0];
	s1 =	sshra.s32 s1, $0x2  }
0x114: {  	v11 =	vld [tilespmem:s24+$0xFFFFFFF0];
	s4 =	sadd.s32 $0x40, s1  }
0x115: {  	v3 =	vld [tilespmem:s4+$0x30]  }
0x116: {  	v12 =	vld [tilespmem:s4+$0xFFFFFFD0]  }
0x117: {  	v13 =	vld [tilespmem:s4+$0xFFFFFFE0]  }
0x118: {  	v9 =	vmul.f32 $1.000000010e-01, v1;
	v4 =	vld [tilespmem:s4+$0xFFFFFFF0]  }
0x119: {  	v1 =	vmul.f32 $1.000000010e-01, v2;
	v14 =	vmul.f32 $1.000000010e-01, v5;
	v2 =	vld [tilespmem:s4+$0x0]  }
0x11a: {  	v16 =	vmul.f32 $1.000000010e-01, v6;
	v15 =	vadd.f32 v9, v3;
	v3 =	vld [tilespmem:s4+$0x10]  }
0x11b: {  	s23 =	simm.s32 $0xC370;
	v8 =	vmul.f32 $1.000000010e-01, v8;
	v6 =	vld [tilespmem:s4+$0x20];
	v9 =	vmul.f32 $1.000000010e-01, v7;
	v12 =	vadd.f32 v14, v12  }
0x11c: {  	s24 =	simm.s32 $0x0;
	v5 =	vmul.f32 $1.000000010e-01, v10;
	s1 =	simm.s32 $0x4570;
	v10 =	vld [tilespmem:s4+$0xFFFFFFC0];
	v7 =	vmul.f32 $1.000000010e-01, v11;
	v11 =	vadd.f32 v16, v13;
	[tilespmem:s23+$0x0] =	vst v15  }
.LBB2_17:
0x11d: {  	v13 =	vld [tilespmem:s1+$0x0];
	s24 =	sadd.s32 $0x80, s24;
	[tilespmem:s23+$0xFFFFFFA0] =	vst v12;
	v4 =	vadd.f32 v9, v4  }
0x11e: {  	s4 =	sadd.s32 $0x80, s4;
	v9 =	vld [tilespmem:s1+$0xFFFFFF90];
	p1 =	slt.u32 s24, $0x780;
	[tilespmem:s23+$0xFFFFFFB0] =	vst v11;
	v2 =	vadd.f32 v8, v2  }
0x11f: {  	v8 =	vld [tilespmem:s4+$0x30];
	[tilespmem:s23+$0xFFFFFFC0] =	vst v4;
	v3 =	vadd.f32 v5, v3  }
0x120: {  	v4 =	vld [tilespmem:s1+$0xFFFFFFA0];
	[tilespmem:s23+$0xFFFFFFD0] =	vst v2;
	v2 =	vadd.f32 v7, v6  }
0x121: {  	v5 =	vld [tilespmem:s1+$0xFFFFFFB0];
	v6 =	vadd.f32 v1, v10;
	[tilespmem:s23+$0xFFFFFFE0] =	vst v3  }
0x122: {  	v3 =	vld [tilespmem:s1+$0xFFFFFFC0];
	v7 =	vmul.f32 $1.000000010e-01, v13;
	[tilespmem:s23+$0xFFFFFFF0] =	vst v2  }
0x123: {  	v1 =	vmul.f32 $1.000000010e-01, v9;
	v2 =	vld [tilespmem:s1+$0xFFFFFFD0];
	[tilespmem:s23+$0xFFFFFF90] =	vst v6  }
0x124: {  	v6 =	vld [tilespmem:s1+$0xFFFFFFE0];
	v7 =	vadd.f32 v7, v8  }
0x125: {  	s23 =	sadd.s32 $0x200, s23;
	v10 =	vmul.f32 $1.000000010e-01, v4;
	v11 =	vld [tilespmem:s1+$0xFFFFFFF0]  }
0x126: {  	v12 =	vld [tilespmem:s4+$0xFFFFFFD0];
	v13 =	vmul.f32 $1.000000010e-01, v5;
	[tilespmem:s23+$0x0] =	vst v7  }
0x127: {  	v14 =	vld [tilespmem:s4+$0xFFFFFFE0];
	v9 =	vmul.f32 $1.000000010e-01, v3  }
.Ltmp8:
0x128: {  	v4 =	vld [tilespmem:s4+$0xFFFFFFF0];
	v8 =	vmul.f32 $1.000000010e-01, v2;
	(pc) =	sbr.rel @p1 .LBB2_17-.Ltmp8, $4  }
0x129: {  	v2 =	vld [tilespmem:s4+$0x0];
	v5 =	vmul.f32 $1.000000010e-01, v6  }
0x12a: {  	v3 =	vld [tilespmem:s4+$0x10];
	v7 =	vmul.f32 $1.000000010e-01, v11  }
0x12b: {  	v12 =	vadd.f32 v10, v12;
	v6 =	vld [tilespmem:s4+$0x20]  }
0x12c: {  	s1 =	sadd.s32 $0x200, s1;
	v10 =	vld [tilespmem:s4+$0xFFFFFFC0];
	v11 =	vadd.f32 v13, v14  }
0x12d: {  	(v2sf) =	vpush v0, $0x2;
	_ =	sdelay $0x3  }
0x12e: {  	[tilespmem:s23+$0xFFFFFFA0] =	vst v12;
	v4 =	vadd.f32 v9, v4  }
0x12f: {  	[tilespmem:s23+$0xFFFFFFB0] =	vst v11;
	v2 =	vadd.f32 v8, v2  }
0x130: {  	[tilespmem:s23+$0xFFFFFFC0] =	vst v4;
	v3 =	vadd.f32 v5, v3  }
0x131: {  	[tilespmem:s23+$0xFFFFFFD0] =	vst v2;
	v2 =	vadd.f32 v7, v6  }
0x132: {  	v1 =	vadd.f32 v1, v10;
	[tilespmem:s23+$0xFFFFFFE0] =	vst v3  }
0x133: {  	[tilespmem:s23+$0xFFFFFFF0] =	vst v2  }
0x134: {  	s24 =	simm.s32 $0x43F0;
	[tilespmem:s23+$0xFFFFFF90] =	vst v1  }
0x135: {  	v1 =	vld [tilespmem:s24+$0x0]  }
0x136: {  	v2 =	vld [tilespmem:s24+$0xFFFFFF90]  }
0x137: {  	v5 =	vld [tilespmem:s24+$0xFFFFFFA0]  }
0x138: {  	v6 =	vld [tilespmem:s24+$0xFFFFFFB0]  }
0x139: {  	v7 =	vld [tilespmem:s24+$0xFFFFFFC0];
	s1 =	spop (v2sf)  }
0x13a: {  	v8 =	vld [tilespmem:s24+$0xFFFFFFD0];
	s1 =	sshll.u32 s1, $0x2  }
0x13b: {  	v10 =	vld [tilespmem:s24+$0xFFFFFFE0];
	s1 =	sshra.s32 s1, $0x2  }
0x13c: {  	v11 =	vld [tilespmem:s24+$0xFFFFFFF0];
	s4 =	sadd.s32 $0x40, s1  }
0x13d: {  	v3 =	vld [tilespmem:s4+$0x30]  }
0x13e: {  	v12 =	vld [tilespmem:s4+$0xFFFFFFD0]  }
0x13f: {  	v13 =	vld [tilespmem:s4+$0xFFFFFFE0]  }
0x140: {  	v9 =	vmul.f32 $1.000000010e-01, v1;
	v4 =	vld [tilespmem:s4+$0xFFFFFFF0]  }
0x141: {  	v1 =	vmul.f32 $1.000000010e-01, v2;
	v14 =	vmul.f32 $1.000000010e-01, v5;
	v2 =	vld [tilespmem:s4+$0x0]  }
0x142: {  	v16 =	vmul.f32 $1.000000010e-01, v6;
	v15 =	vadd.f32 v9, v3;
	v3 =	vld [tilespmem:s4+$0x10]  }
0x143: {  	s23 =	simm.s32 $0xC3F0;
	v8 =	vmul.f32 $1.000000010e-01, v8;
	v6 =	vld [tilespmem:s4+$0x20];
	v9 =	vmul.f32 $1.000000010e-01, v7;
	v12 =	vadd.f32 v14, v12  }
0x144: {  	s24 =	simm.s32 $0x0;
	v5 =	vmul.f32 $1.000000010e-01, v10;
	s1 =	simm.s32 $0x45F0;
	v10 =	vld [tilespmem:s4+$0xFFFFFFC0];
	v7 =	vmul.f32 $1.000000010e-01, v11;
	v11 =	vadd.f32 v16, v13;
	[tilespmem:s23+$0x0] =	vst v15  }
.LBB2_19:
0x145: {  	v13 =	vld [tilespmem:s1+$0x0];
	s24 =	sadd.s32 $0x80, s24;
	[tilespmem:s23+$0xFFFFFFA0] =	vst v12;
	v4 =	vadd.f32 v9, v4  }
0x146: {  	s4 =	sadd.s32 $0x80, s4;
	v9 =	vld [tilespmem:s1+$0xFFFFFF90];
	p1 =	slt.u32 s24, $0x780;
	[tilespmem:s23+$0xFFFFFFB0] =	vst v11;
	v2 =	vadd.f32 v8, v2  }
0x147: {  	v8 =	vld [tilespmem:s4+$0x30];
	[tilespmem:s23+$0xFFFFFFC0] =	vst v4;
	v3 =	vadd.f32 v5, v3  }
0x148: {  	v4 =	vld [tilespmem:s1+$0xFFFFFFA0];
	[tilespmem:s23+$0xFFFFFFD0] =	vst v2;
	v2 =	vadd.f32 v7, v6  }
0x149: {  	v5 =	vld [tilespmem:s1+$0xFFFFFFB0];
	v6 =	vadd.f32 v1, v10;
	[tilespmem:s23+$0xFFFFFFE0] =	vst v3  }
0x14a: {  	v3 =	vld [tilespmem:s1+$0xFFFFFFC0];
	v7 =	vmul.f32 $1.000000010e-01, v13;
	[tilespmem:s23+$0xFFFFFFF0] =	vst v2  }
0x14b: {  	v1 =	vmul.f32 $1.000000010e-01, v9;
	v2 =	vld [tilespmem:s1+$0xFFFFFFD0];
	[tilespmem:s23+$0xFFFFFF90] =	vst v6  }
0x14c: {  	v6 =	vld [tilespmem:s1+$0xFFFFFFE0];
	v7 =	vadd.f32 v7, v8  }
0x14d: {  	s23 =	sadd.s32 $0x200, s23;
	v10 =	vmul.f32 $1.000000010e-01, v4;
	v11 =	vld [tilespmem:s1+$0xFFFFFFF0]  }
0x14e: {  	v12 =	vld [tilespmem:s4+$0xFFFFFFD0];
	v13 =	vmul.f32 $1.000000010e-01, v5;
	[tilespmem:s23+$0x0] =	vst v7  }
0x14f: {  	v14 =	vld [tilespmem:s4+$0xFFFFFFE0];
	v9 =	vmul.f32 $1.000000010e-01, v3  }
.Ltmp9:
0x150: {  	v4 =	vld [tilespmem:s4+$0xFFFFFFF0];
	v8 =	vmul.f32 $1.000000010e-01, v2;
	(pc) =	sbr.rel @p1 .LBB2_19-.Ltmp9, $4  }
0x151: {  	v2 =	vld [tilespmem:s4+$0x0];
	v5 =	vmul.f32 $1.000000010e-01, v6  }
0x152: {  	v3 =	vld [tilespmem:s4+$0x10];
	v7 =	vmul.f32 $1.000000010e-01, v11  }
0x153: {  	v12 =	vadd.f32 v10, v12;
	v6 =	vld [tilespmem:s4+$0x20]  }
0x154: {  	s1 =	sadd.s32 $0x200, s1;
	v10 =	vld [tilespmem:s4+$0xFFFFFFC0];
	v11 =	vadd.f32 v13, v14  }
0x155: {  	(v2sf) =	vpush v0, $0x3;
	_ =	sdelay $0x3  }
0x156: {  	[tilespmem:s23+$0xFFFFFFA0] =	vst v12;
	v0 =	vadd.f32 v9, v4  }
0x157: {  	[tilespmem:s23+$0xFFFFFFB0] =	vst v11;
	v2 =	vadd.f32 v8, v2  }
0x158: {  	[tilespmem:s23+$0xFFFFFFC0] =	vst v0;
	v0 =	vadd.f32 v5, v3  }
0x159: {  	[tilespmem:s23+$0xFFFFFFD0] =	vst v2;
	v2 =	vadd.f32 v7, v6  }
0x15a: {  	v1 =	vadd.f32 v1, v10;
	[tilespmem:s23+$0xFFFFFFE0] =	vst v0  }
0x15b: {  	[tilespmem:s23+$0xFFFFFFF0] =	vst v2  }
0x15c: {  	s24 =	simm.s32 $0x4470;
	[tilespmem:s23+$0xFFFFFF90] =	vst v1  }
0x15d: {  	v0 =	vld [tilespmem:s24+$0x0]  }
0x15e: {  	v1 =	vld [tilespmem:s24+$0xFFFFFF90]  }
0x15f: {  	v4 =	vld [tilespmem:s24+$0xFFFFFFA0]  }
0x160: {  	v5 =	vld [tilespmem:s24+$0xFFFFFFB0]  }
0x161: {  	v6 =	vld [tilespmem:s24+$0xFFFFFFC0];
	s1 =	spop (v2sf)  }
0x162: {  	v7 =	vld [tilespmem:s24+$0xFFFFFFD0];
	s1 =	sshll.u32 s1, $0x2  }
0x163: {  	v9 =	vld [tilespmem:s24+$0xFFFFFFE0];
	s1 =	sshra.s32 s1, $0x2  }
0x164: {  	v10 =	vld [tilespmem:s24+$0xFFFFFFF0];
	s4 =	sadd.s32 $0x40, s1  }
0x165: {  	v2 =	vld [tilespmem:s4+$0x30]  }
0x166: {  	v11 =	vld [tilespmem:s4+$0xFFFFFFD0]  }
0x167: {  	v12 =	vld [tilespmem:s4+$0xFFFFFFE0]  }
0x168: {  	v8 =	vmul.f32 $1.000000010e-01, v0;
	v3 =	vld [tilespmem:s4+$0xFFFFFFF0]  }
0x169: {  	v0 =	vmul.f32 $1.000000010e-01, v1;
	v13 =	vmul.f32 $1.000000010e-01, v4;
	v1 =	vld [tilespmem:s4+$0x0]  }
0x16a: {  	v15 =	vmul.f32 $1.000000010e-01, v5;
	v14 =	vadd.f32 v8, v2;
	v2 =	vld [tilespmem:s4+$0x10]  }
0x16b: {  	s23 =	simm.s32 $0xC470;
	v7 =	vmul.f32 $1.000000010e-01, v7;
	v5 =	vld [tilespmem:s4+$0x20];
	v8 =	vmul.f32 $1.000000010e-01, v6;
	v11 =	vadd.f32 v13, v11  }
0x16c: {  	s24 =	simm.s32 $0x0;
	v4 =	vmul.f32 $1.000000010e-01, v9;
	s1 =	simm.s32 $0x4670;
	v9 =	vld [tilespmem:s4+$0xFFFFFFC0];
	v6 =	vmul.f32 $1.000000010e-01, v10;
	v10 =	vadd.f32 v15, v12;
	[tilespmem:s23+$0x0] =	vst v14  }
.LBB2_21:
0x16d: {  	v12 =	vld [tilespmem:s1+$0x0];
	s24 =	sadd.s32 $0x80, s24;
	[tilespmem:s23+$0xFFFFFFA0] =	vst v11;
	v3 =	vadd.f32 v8, v3  }
0x16e: {  	s4 =	sadd.s32 $0x80, s4;
	v8 =	vld [tilespmem:s1+$0xFFFFFF90];
	p1 =	slt.u32 s24, $0x780;
	[tilespmem:s23+$0xFFFFFFB0] =	vst v10;
	v1 =	vadd.f32 v7, v1  }
0x16f: {  	v7 =	vld [tilespmem:s4+$0x30];
	[tilespmem:s23+$0xFFFFFFC0] =	vst v3;
	v2 =	vadd.f32 v4, v2  }
0x170: {  	v3 =	vld [tilespmem:s1+$0xFFFFFFA0];
	[tilespmem:s23+$0xFFFFFFD0] =	vst v1;
	v1 =	vadd.f32 v6, v5  }
0x171: {  	v4 =	vld [tilespmem:s1+$0xFFFFFFB0];
	v5 =	vadd.f32 v0, v9;
	[tilespmem:s23+$0xFFFFFFE0] =	vst v2  }
0x172: {  	v2 =	vld [tilespmem:s1+$0xFFFFFFC0];
	v6 =	vmul.f32 $1.000000010e-01, v12;
	[tilespmem:s23+$0xFFFFFFF0] =	vst v1  }
0x173: {  	v0 =	vmul.f32 $1.000000010e-01, v8;
	v1 =	vld [tilespmem:s1+$0xFFFFFFD0];
	[tilespmem:s23+$0xFFFFFF90] =	vst v5  }
0x174: {  	v5 =	vld [tilespmem:s1+$0xFFFFFFE0];
	v6 =	vadd.f32 v6, v7  }
0x175: {  	s23 =	sadd.s32 $0x200, s23;
	v9 =	vmul.f32 $1.000000010e-01, v3;
	v10 =	vld [tilespmem:s1+$0xFFFFFFF0]  }
0x176: {  	v11 =	vld [tilespmem:s4+$0xFFFFFFD0];
	v12 =	vmul.f32 $1.000000010e-01, v4;
	[tilespmem:s23+$0x0] =	vst v6  }
0x177: {  	v13 =	vld [tilespmem:s4+$0xFFFFFFE0];
	v8 =	vmul.f32 $1.000000010e-01, v2  }
.Ltmp10:
0x178: {  	v3 =	vld [tilespmem:s4+$0xFFFFFFF0];
	v7 =	vmul.f32 $1.000000010e-01, v1;
	(pc) =	sbr.rel @p1 .LBB2_21-.Ltmp10, $4  }
0x179: {  	v1 =	vld [tilespmem:s4+$0x0];
	v4 =	vmul.f32 $1.000000010e-01, v5  }
0x17a: {  	v2 =	vld [tilespmem:s4+$0x10];
	v6 =	vmul.f32 $1.000000010e-01, v10  }
0x17b: {  	v11 =	vadd.f32 v9, v11;
	v5 =	vld [tilespmem:s4+$0x20]  }
0x17c: {  	s1 =	sadd.s32 $0x200, s1;
	v9 =	vld [tilespmem:s4+$0xFFFFFFC0];
	v10 =	vadd.f32 v12, v13  }
0x17d: {  	[tilespmem:s23+$0xFFFFFFA0] =	vst v11;
	v3 =	vadd.f32 v8, v3  }
0x17e: {  	[tilespmem:s23+$0xFFFFFFB0] =	vst v10;
	v1 =	vadd.f32 v7, v1  }
0x17f: {  	[tilespmem:s23+$0xFFFFFFC0] =	vst v3;
	v2 =	vadd.f32 v4, v2  }
0x180: {  	[tilespmem:s23+$0xFFFFFFD0] =	vst v1;
	v1 =	vadd.f32 v6, v5  }
0x181: {  	v0 =	vadd.f32 v0, v9;
	[tilespmem:s23+$0xFFFFFFE0] =	vst v2  }
0x182: {  	p1 =	seq.s32 s10, $0x1F;
	[tilespmem:s23+$0xFFFFFFF0] =	vst v1  }
0x183: {  	s1 =	sadd.s32 s7, s13;
	s7 =	sshll.u32 @!p1 s10, $0xC;
	s4 =	simm.s32 @!p1 $0x200;
	[tilespmem:s23+$0xFFFFFF90] =	vst v0  }
0x184: {  	[hbm4b:s1+s17] =	stream.strided.scatter [tilespmem:s31], [sflag:$0x6], $0x2000, s18, s17, $0x38;
	[tilespmem:$0x12280] =	vst v63  }
0x185: {  	s24 =	simm.s32 @!p1 $0x4280;
	s23 =	simm.s32 @!p1 $0x400;
	s1 =	sadd.s32 @!p1 s7, s14  }
0x186: {  	[tilespmem:s24], [sflag:$0x2] =	stream.strided.gather @!p1 [hbm4b:s1+s4], $0x2000, s23, s4, $0x38;
	[tilespmem:$0x12280] =	vst v63  }
0x187: {  	_ =	swait.ge [sflag:s0], $0x2000  }
0x188: {  	[sflag:s0] =	ssyncset.done $0x0  }
0x189: {  	s1 =	simm.s32 @!p0 $0x7;
	[sflag:s0] =	ssyncadd.s32 $0xFFFFE000  }
0x18a: {  	_ =	swait.ge @!p0 [sflag:s1], $0x2000  }
0x18b: {  	[sflag:s1] =	ssyncset.done @!p0 $0x0  }
0x18c: {  	s16 =	sor.u32 $0x8, s16;
	[sflag:s1] =	ssyncadd.s32 @!p0 $0xFFFFE000  }
0x18d: {  	v0 =	vld [tilespmem:s16+$0x2000];
	_ =	sdelay $0x4  }
0x18e: {  	(v2sf) =	vpush v0, $0x0;
	_ =	sdelay $0xa  }
0x18f: {  	s4 =	simm.s32 $0x0  }
0x190: {  	v1 =	vld [tilespmem:s4+$0x62F0]  }
0x191: {  	v2 =	vld [tilespmem:s4+$0x6280]  }
0x192: {  	v4 =	vld [tilespmem:s4+$0x6290]  }
0x193: {  	v5 =	vld [tilespmem:s4+$0x62A0];
	s24 =	spop (v2sf)  }
0x194: {  	v6 =	vld [tilespmem:s4+$0x62B0];
	s1 =	sshll.u32 s24, $0x2  }
0x195: {  	v8 =	vld [tilespmem:s4+$0x62C0];
	s1 =	sshra.s32 s1, $0x2  }
0x196: {  	v11 =	vld [tilespmem:s4+$0x62D0];
	s23 =	sadd.s32 $0x40, s1  }
0x197: {  	v3 =	vld [tilespmem:s23+$0x30]  }
0x198: {  	v12 =	vld [tilespmem:s4+$0x62E0]  }
0x199: {  	v13 =	vld [tilespmem:s23+$0xFFFFFFD0]  }
0x19a: {  	v9 =	vmul.f32 $1.000000010e-01, v1;
	v7 =	vld [tilespmem:s23+$0xFFFFFFE0]  }
0x19b: {  	v1 =	vmul.f32 $1.000000010e-01, v2;
	v2 =	vld [tilespmem:s23+$0xFFFFFFF0]  }
0x19c: {  	v15 =	vmul.f32 $1.000000010e-01, v4;
	v10 =	vmul.f32 $1.000000010e-01, v5;
	v5 =	vld [tilespmem:s23+$0x0];
	v14 =	vadd.f32 v9, v3  }
0x19d: {  	v4 =	vmul.f32 $1.000000010e-01, v12;
	v9 =	vmul.f32 $1.000000010e-01, v6;
	v3 =	vld [tilespmem:s23+$0x10]  }
0x19e: {  	s16 =	sadd.s32 s5, s16;
	s24 =	simm.s32 $0x0;
	s1 =	simm.s32 $0x800;
	v6 =	vmul.f32 $1.000000010e-01, v8;
	v8 =	vmul.f32 $1.000000010e-01, v11;
	v12 =	vadd.f32 v15, v13;
	v11 =	vld [tilespmem:s23+$0x20];
	[tilespmem:s4+$0xE2F0] =	vst v14  }
.LBB2_23:
0x19f: {  	s22 =	sshra.s32 s1, $0x2;
	s24 =	sadd.s32 $0x80, s24;
	v13 =	vld [tilespmem:s23+$0xFFFFFFC0];
	v7 =	vadd.f32 v10, v7  }
0x1a0: {  	v10 =	vld [tilespmem:s22+$0x62F0];
	p2 =	slt.u32 s24, $0x780;
	[tilespmem:s4+$0xE290] =	vst v12;
	v2 =	vadd.f32 v9, v2  }
0x1a1: {  	s23 =	sadd.s32 $0x80, s23;
	v9 =	vld [tilespmem:s22+$0x6280];
	[tilespmem:s4+$0xE2A0] =	vst v7;
	v5 =	vadd.f32 v6, v5  }
0x1a2: {  	v6 =	vld [tilespmem:s23+$0x30];
	[tilespmem:s4+$0xE2B0] =	vst v2;
	v2 =	vadd.f32 v8, v3  }
0x1a3: {  	v3 =	vld [tilespmem:s22+$0x6290];
	[tilespmem:s4+$0xE2C0] =	vst v5;
	v4 =	vadd.f32 v4, v11  }
0x1a4: {  	v5 =	vld [tilespmem:s22+$0x62A0];
	v7 =	vadd.f32 v1, v13;
	[tilespmem:s4+$0xE2D0] =	vst v2  }
0x1a5: {  	v2 =	vld [tilespmem:s22+$0x62B0];
	v8 =	vmul.f32 $1.000000010e-01, v10;
	[tilespmem:s4+$0xE2E0] =	vst v4  }
0x1a6: {  	v1 =	vmul.f32 $1.000000010e-01, v9;
	v4 =	vld [tilespmem:s22+$0x62C0];
	[tilespmem:s4+$0xE280] =	vst v7;
	s4 =	smov.u32 s22  }
0x1a7: {  	v11 =	vld [tilespmem:s4+$0x62D0];
	v6 =	vadd.f32 v8, v6  }
0x1a8: {  	v12 =	vmul.f32 $1.000000010e-01, v3;
	v13 =	vld [tilespmem:s4+$0x62E0]  }
0x1a9: {  	v14 =	vld [tilespmem:s23+$0xFFFFFFD0];
	v10 =	vmul.f32 $1.000000010e-01, v5;
	[tilespmem:s4+$0xE2F0] =	vst v6  }
.Ltmp11:
0x1aa: {  	v7 =	vld [tilespmem:s23+$0xFFFFFFE0];
	v9 =	vmul.f32 $1.000000010e-01, v2;
	(pc) =	sbr.rel @p2 .LBB2_23-.Ltmp11, $4  }
0x1ab: {  	v2 =	vld [tilespmem:s23+$0xFFFFFFF0];
	v6 =	vmul.f32 $1.000000010e-01, v4  }
0x1ac: {  	v5 =	vld [tilespmem:s23+$0x0];
	v8 =	vmul.f32 $1.000000010e-01, v11  }
0x1ad: {  	v3 =	vld [tilespmem:s23+$0x10];
	v4 =	vmul.f32 $1.000000010e-01, v13  }
0x1ae: {  	s1 =	sadd.s32 $0x800, s1;
	v12 =	vadd.f32 v12, v14;
	v11 =	vld [tilespmem:s23+$0x20]  }
0x1af: {  	(v2sf) =	vpush v0, $0x1;
	_ =	sdelay $0x3  }
0x1b0: {  	v13 =	vld [tilespmem:s23+$0xFFFFFFC0];
	v7 =	vadd.f32 v10, v7  }
0x1b1: {  	[tilespmem:s4+$0xE290] =	vst v12;
	v2 =	vadd.f32 v9, v2  }
0x1b2: {  	[tilespmem:s4+$0xE2A0] =	vst v7;
	v5 =	vadd.f32 v6, v5  }
0x1b3: {  	[tilespmem:s4+$0xE2B0] =	vst v2;
	v2 =	vadd.f32 v8, v3  }
0x1b4: {  	[tilespmem:s4+$0xE2C0] =	vst v5;
	v3 =	vadd.f32 v4, v11  }
0x1b5: {  	v1 =	vadd.f32 v1, v13;
	[tilespmem:s4+$0xE2D0] =	vst v2  }
0x1b6: {  	[tilespmem:s4+$0xE2E0] =	vst v3  }
0x1b7: {  	[tilespmem:s4+$0xE280] =	vst v1;
	s4 =	simm.s32 $0x0  }
0x1b8: {  	v1 =	vld [tilespmem:s4+$0x6370]  }
0x1b9: {  	v2 =	vld [tilespmem:s4+$0x6300]  }
0x1ba: {  	v5 =	vld [tilespmem:s4+$0x6310]  }
0x1bb: {  	v6 =	vld [tilespmem:s4+$0x6320];
	s1 =	spop (v2sf)  }
0x1bc: {  	v7 =	vld [tilespmem:s4+$0x6330];
	s1 =	sshll.u32 s1, $0x2  }
0x1bd: {  	v11 =	vld [tilespmem:s4+$0x6340];
	s1 =	sshra.s32 s1, $0x2  }
0x1be: {  	v12 =	vld [tilespmem:s4+$0x6350];
	s23 =	sadd.s32 $0x40, s1  }
0x1bf: {  	v4 =	vld [tilespmem:s23+$0x30]  }
0x1c0: {  	v13 =	vld [tilespmem:s4+$0x6360]  }
0x1c1: {  	v14 =	vld [tilespmem:s23+$0xFFFFFFD0]  }
0x1c2: {  	v9 =	vmul.f32 $1.000000010e-01, v1;
	v8 =	vld [tilespmem:s23+$0xFFFFFFE0]  }
0x1c3: {  	v1 =	vmul.f32 $1.000000010e-01, v2;
	v3 =	vld [tilespmem:s23+$0xFFFFFFF0]  }
0x1c4: {  	v15 =	vmul.f32 $1.000000010e-01, v5;
	v10 =	vmul.f32 $1.000000010e-01, v6;
	v5 =	vld [tilespmem:s23+$0x0];
	v2 =	vadd.f32 v9, v4  }
0x1c5: {  	v6 =	vmul.f32 $1.000000010e-01, v11;
	v9 =	vmul.f32 $1.000000010e-01, v7;
	v4 =	vld [tilespmem:s23+$0x10]  }
0x1c6: {  	s24 =	simm.s32 $0x0;
	s1 =	simm.s32 $0x800;
	v11 =	vld [tilespmem:s23+$0x20];
	v7 =	vmul.f32 $1.000000010e-01, v12;
	v12 =	vadd.f32 v15, v14;
	[tilespmem:s4+$0xE370] =	vst v2;
	v2 =	vmul.f32 $1.000000010e-01, v13  }
.LBB2_25:
0x1c7: {  	s22 =	sshra.s32 s1, $0x2;
	s24 =	sadd.s32 $0x80, s24;
	v13 =	vld [tilespmem:s23+$0xFFFFFFC0];
	v8 =	vadd.f32 v10, v8  }
0x1c8: {  	v10 =	vld [tilespmem:s22+$0x6370];
	p2 =	slt.u32 s24, $0x780;
	[tilespmem:s4+$0xE310] =	vst v12;
	v3 =	vadd.f32 v9, v3  }
0x1c9: {  	s23 =	sadd.s32 $0x80, s23;
	v9 =	vld [tilespmem:s22+$0x6300];
	[tilespmem:s4+$0xE320] =	vst v8;
	v5 =	vadd.f32 v6, v5  }
0x1ca: {  	v6 =	vld [tilespmem:s23+$0x30];
	[tilespmem:s4+$0xE330] =	vst v3;
	v3 =	vadd.f32 v7, v4  }
0x1cb: {  	v4 =	vld [tilespmem:s22+$0x6310];
	[tilespmem:s4+$0xE340] =	vst v5;
	v2 =	vadd.f32 v2, v11  }
0x1cc: {  	v5 =	vld [tilespmem:s22+$0x6320];
	v7 =	vadd.f32 v1, v13;
	[tilespmem:s4+$0xE350] =	vst v3  }
0x1cd: {  	v3 =	vld [tilespmem:s22+$0x6330];
	v8 =	vmul.f32 $1.000000010e-01, v10;
	[tilespmem:s4+$0xE360] =	vst v2  }
0x1ce: {  	v1 =	vmul.f32 $1.000000010e-01, v9;
	v2 =	vld [tilespmem:s22+$0x6340];
	[tilespmem:s4+$0xE300] =	vst v7;
	s4 =	smov.u32 s22  }
0x1cf: {  	v7 =	vld [tilespmem:s4+$0x6350];
	v6 =	vadd.f32 v8, v6  }
0x1d0: {  	v11 =	vmul.f32 $1.000000010e-01, v4;
	v12 =	vld [tilespmem:s4+$0x6360]  }
0x1d1: {  	v13 =	vld [tilespmem:s23+$0xFFFFFFD0];
	v10 =	vmul.f32 $1.000000010e-01, v5;
	[tilespmem:s4+$0xE370] =	vst v6  }
.Ltmp12:
0x1d2: {  	v8 =	vld [tilespmem:s23+$0xFFFFFFE0];
	v9 =	vmul.f32 $1.000000010e-01, v3;
	(pc) =	sbr.rel @p2 .LBB2_25-.Ltmp12, $4  }
0x1d3: {  	v3 =	vld [tilespmem:s23+$0xFFFFFFF0];
	v6 =	vmul.f32 $1.000000010e-01, v2  }
0x1d4: {  	v5 =	vld [tilespmem:s23+$0x0];
	v7 =	vmul.f32 $1.000000010e-01, v7  }
0x1d5: {  	v4 =	vld [tilespmem:s23+$0x10];
	v2 =	vmul.f32 $1.000000010e-01, v12  }
0x1d6: {  	s1 =	sadd.s32 $0x800, s1;
	v12 =	vadd.f32 v11, v13;
	v11 =	vld [tilespmem:s23+$0x20]  }
0x1d7: {  	(v2sf) =	vpush v0, $0x2;
	_ =	sdelay $0x3  }
0x1d8: {  	v13 =	vld [tilespmem:s23+$0xFFFFFFC0];
	v8 =	vadd.f32 v10, v8  }
0x1d9: {  	[tilespmem:s4+$0xE310] =	vst v12;
	v3 =	vadd.f32 v9, v3  }
0x1da: {  	[tilespmem:s4+$0xE320] =	vst v8;
	v5 =	vadd.f32 v6, v5  }
0x1db: {  	[tilespmem:s4+$0xE330] =	vst v3;
	v3 =	vadd.f32 v7, v4  }
0x1dc: {  	[tilespmem:s4+$0xE340] =	vst v5;
	v2 =	vadd.f32 v2, v11  }
0x1dd: {  	v1 =	vadd.f32 v1, v13;
	[tilespmem:s4+$0xE350] =	vst v3  }
0x1de: {  	[tilespmem:s4+$0xE360] =	vst v2  }
0x1df: {  	[tilespmem:s4+$0xE300] =	vst v1;
	s4 =	simm.s32 $0x0  }
0x1e0: {  	v1 =	vld [tilespmem:s4+$0x63F0]  }
0x1e1: {  	v2 =	vld [tilespmem:s4+$0x6380]  }
0x1e2: {  	v5 =	vld [tilespmem:s4+$0x6390]  }
0x1e3: {  	v6 =	vld [tilespmem:s4+$0x63A0];
	s1 =	spop (v2sf)  }
0x1e4: {  	v7 =	vld [tilespmem:s4+$0x63B0];
	s1 =	sshll.u32 s1, $0x2  }
0x1e5: {  	v11 =	vld [tilespmem:s4+$0x63C0];
	s1 =	sshra.s32 s1, $0x2  }
0x1e6: {  	v12 =	vld [tilespmem:s4+$0x63D0];
	s23 =	sadd.s32 $0x40, s1  }
0x1e7: {  	v4 =	vld [tilespmem:s23+$0x30]  }
0x1e8: {  	v13 =	vld [tilespmem:s4+$0x63E0]  }
0x1e9: {  	v14 =	vld [tilespmem:s23+$0xFFFFFFD0]  }
0x1ea: {  	v9 =	vmul.f32 $1.000000010e-01, v1;
	v8 =	vld [tilespmem:s23+$0xFFFFFFE0]  }
0x1eb: {  	v1 =	vmul.f32 $1.000000010e-01, v2;
	v3 =	vld [tilespmem:s23+$0xFFFFFFF0]  }
0x1ec: {  	v15 =	vmul.f32 $1.000000010e-01, v5;
	v10 =	vmul.f32 $1.000000010e-01, v6;
	v5 =	vld [tilespmem:s23+$0x0];
	v2 =	vadd.f32 v9, v4  }
0x1ed: {  	v6 =	vmul.f32 $1.000000010e-01, v11;
	v9 =	vmul.f32 $1.000000010e-01, v7;
	v4 =	vld [tilespmem:s23+$0x10]  }
0x1ee: {  	s24 =	simm.s32 $0x0;
	s1 =	simm.s32 $0x800;
	v11 =	vld [tilespmem:s23+$0x20];
	v7 =	vmul.f32 $1.000000010e-01, v12;
	v12 =	vadd.f32 v15, v14;
	[tilespmem:s4+$0xE3F0] =	vst v2;
	v2 =	vmul.f32 $1.000000010e-01, v13  }
.LBB2_27:
0x1ef: {  	s22 =	sshra.s32 s1, $0x2;
	s24 =	sadd.s32 $0x80, s24;
	v13 =	vld [tilespmem:s23+$0xFFFFFFC0];
	v8 =	vadd.f32 v10, v8  }
0x1f0: {  	v10 =	vld [tilespmem:s22+$0x63F0];
	p2 =	slt.u32 s24, $0x780;
	[tilespmem:s4+$0xE390] =	vst v12;
	v3 =	vadd.f32 v9, v3  }
0x1f1: {  	s23 =	sadd.s32 $0x80, s23;
	v9 =	vld [tilespmem:s22+$0x6380];
	[tilespmem:s4+$0xE3A0] =	vst v8;
	v5 =	vadd.f32 v6, v5  }
0x1f2: {  	v6 =	vld [tilespmem:s23+$0x30];
	[tilespmem:s4+$0xE3B0] =	vst v3;
	v3 =	vadd.f32 v7, v4  }
0x1f3: {  	v4 =	vld [tilespmem:s22+$0x6390];
	[tilespmem:s4+$0xE3C0] =	vst v5;
	v2 =	vadd.f32 v2, v11  }
0x1f4: {  	v5 =	vld [tilespmem:s22+$0x63A0];
	v7 =	vadd.f32 v1, v13;
	[tilespmem:s4+$0xE3D0] =	vst v3  }
0x1f5: {  	v3 =	vld [tilespmem:s22+$0x63B0];
	v8 =	vmul.f32 $1.000000010e-01, v10;
	[tilespmem:s4+$0xE3E0] =	vst v2  }
0x1f6: {  	v1 =	vmul.f32 $1.000000010e-01, v9;
	v2 =	vld [tilespmem:s22+$0x63C0];
	[tilespmem:s4+$0xE380] =	vst v7;
	s4 =	smov.u32 s22  }
0x1f7: {  	v7 =	vld [tilespmem:s4+$0x63D0];
	v6 =	vadd.f32 v8, v6  }
0x1f8: {  	v11 =	vmul.f32 $1.000000010e-01, v4;
	v12 =	vld [tilespmem:s4+$0x63E0]  }
0x1f9: {  	v13 =	vld [tilespmem:s23+$0xFFFFFFD0];
	v10 =	vmul.f32 $1.000000010e-01, v5;
	[tilespmem:s4+$0xE3F0] =	vst v6  }
.Ltmp13:
0x1fa: {  	v8 =	vld [tilespmem:s23+$0xFFFFFFE0];
	v9 =	vmul.f32 $1.000000010e-01, v3;
	(pc) =	sbr.rel @p2 .LBB2_27-.Ltmp13, $4  }
0x1fb: {  	v3 =	vld [tilespmem:s23+$0xFFFFFFF0];
	v6 =	vmul.f32 $1.000000010e-01, v2  }
0x1fc: {  	v5 =	vld [tilespmem:s23+$0x0];
	v7 =	vmul.f32 $1.000000010e-01, v7  }
0x1fd: {  	v4 =	vld [tilespmem:s23+$0x10];
	v2 =	vmul.f32 $1.000000010e-01, v12  }
0x1fe: {  	s1 =	sadd.s32 $0x800, s1;
	v12 =	vadd.f32 v11, v13;
	v11 =	vld [tilespmem:s23+$0x20]  }
0x1ff: {  	(v2sf) =	vpush v0, $0x3;
	_ =	sdelay $0x3  }
0x200: {  	v0 =	vld [tilespmem:s23+$0xFFFFFFC0];
	v8 =	vadd.f32 v10, v8  }
0x201: {  	[tilespmem:s4+$0xE390] =	vst v12;
	v3 =	vadd.f32 v9, v3  }
0x202: {  	[tilespmem:s4+$0xE3A0] =	vst v8;
	v5 =	vadd.f32 v6, v5  }
0x203: {  	[tilespmem:s4+$0xE3B0] =	vst v3;
	v3 =	vadd.f32 v7, v4  }
0x204: {  	[tilespmem:s4+$0xE3C0] =	vst v5;
	v2 =	vadd.f32 v2, v11  }
0x205: {  	v0 =	vadd.f32 v1, v0;
	[tilespmem:s4+$0xE3D0] =	vst v3  }
0x206: {  	[tilespmem:s4+$0xE3E0] =	vst v2  }
0x207: {  	[tilespmem:s4+$0xE380] =	vst v0;
	s4 =	simm.s32 $0x0  }
0x208: {  	v0 =	vld [tilespmem:s4+$0x6470]  }
0x209: {  	v1 =	vld [tilespmem:s4+$0x6400]  }
0x20a: {  	v4 =	vld [tilespmem:s4+$0x6410]  }
0x20b: {  	v5 =	vld [tilespmem:s4+$0x6420];
	s1 =	spop (v2sf)  }
0x20c: {  	v6 =	vld [tilespmem:s4+$0x6430];
	s1 =	sshll.u32 s1, $0x2  }
0x20d: {  	v10 =	vld [tilespmem:s4+$0x6440];
	s1 =	sshra.s32 s1, $0x2  }
0x20e: {  	v11 =	vld [tilespmem:s4+$0x6450];
	s23 =	sadd.s32 $0x40, s1  }
0x20f: {  	v3 =	vld [tilespmem:s23+$0x30]  }
0x210: {  	v12 =	vld [tilespmem:s4+$0x6460]  }
0x211: {  	v13 =	vld [tilespmem:s23+$0xFFFFFFD0]  }
0x212: {  	v8 =	vmul.f32 $1.000000010e-01, v0;
	v7 =	vld [tilespmem:s23+$0xFFFFFFE0]  }
0x213: {  	v0 =	vmul.f32 $1.000000010e-01, v1;
	v2 =	vld [tilespmem:s23+$0xFFFFFFF0]  }
0x214: {  	v14 =	vmul.f32 $1.000000010e-01, v4;
	v9 =	vmul.f32 $1.000000010e-01, v5;
	v4 =	vld [tilespmem:s23+$0x0];
	v1 =	vadd.f32 v8, v3  }
0x215: {  	v5 =	vmul.f32 $1.000000010e-01, v10;
	v8 =	vmul.f32 $1.000000010e-01, v6;
	v3 =	vld [tilespmem:s23+$0x10]  }
0x216: {  	s24 =	simm.s32 $0x0;
	s1 =	simm.s32 $0x800;
	v10 =	vld [tilespmem:s23+$0x20];
	v6 =	vmul.f32 $1.000000010e-01, v11;
	v11 =	vadd.f32 v14, v13;
	[tilespmem:s4+$0xE470] =	vst v1;
	v1 =	vmul.f32 $1.000000010e-01, v12  }
.LBB2_29:
0x217: {  	s22 =	sshra.s32 s1, $0x2;
	s24 =	sadd.s32 $0x80, s24;
	v12 =	vld [tilespmem:s23+$0xFFFFFFC0];
	v7 =	vadd.f32 v9, v7  }
0x218: {  	v9 =	vld [tilespmem:s22+$0x6470];
	p2 =	slt.u32 s24, $0x780;
	[tilespmem:s4+$0xE410] =	vst v11;
	v2 =	vadd.f32 v8, v2  }
0x219: {  	s23 =	sadd.s32 $0x80, s23;
	v8 =	vld [tilespmem:s22+$0x6400];
	[tilespmem:s4+$0xE420] =	vst v7;
	v4 =	vadd.f32 v5, v4  }
0x21a: {  	v5 =	vld [tilespmem:s23+$0x30];
	[tilespmem:s4+$0xE430] =	vst v2;
	v2 =	vadd.f32 v6, v3  }
0x21b: {  	v3 =	vld [tilespmem:s22+$0x6410];
	[tilespmem:s4+$0xE440] =	vst v4;
	v1 =	vadd.f32 v1, v10  }
0x21c: {  	v4 =	vld [tilespmem:s22+$0x6420];
	v6 =	vadd.f32 v0, v12;
	[tilespmem:s4+$0xE450] =	vst v2  }
0x21d: {  	v2 =	vld [tilespmem:s22+$0x6430];
	v7 =	vmul.f32 $1.000000010e-01, v9;
	[tilespmem:s4+$0xE460] =	vst v1  }
0x21e: {  	v0 =	vmul.f32 $1.000000010e-01, v8;
	v1 =	vld [tilespmem:s22+$0x6440];
	[tilespmem:s4+$0xE400] =	vst v6;
	s4 =	smov.u32 s22  }
0x21f: {  	v6 =	vld [tilespmem:s4+$0x6450];
	v5 =	vadd.f32 v7, v5  }
0x220: {  	v10 =	vmul.f32 $1.000000010e-01, v3;
	v11 =	vld [tilespmem:s4+$0x6460]  }
0x221: {  	v12 =	vld [tilespmem:s23+$0xFFFFFFD0];
	v9 =	vmul.f32 $1.000000010e-01, v4;
	[tilespmem:s4+$0xE470] =	vst v5  }
.Ltmp14:
0x222: {  	v7 =	vld [tilespmem:s23+$0xFFFFFFE0];
	v8 =	vmul.f32 $1.000000010e-01, v2;
	(pc) =	sbr.rel @p2 .LBB2_29-.Ltmp14, $4  }
0x223: {  	v2 =	vld [tilespmem:s23+$0xFFFFFFF0];
	v5 =	vmul.f32 $1.000000010e-01, v1  }
0x224: {  	v4 =	vld [tilespmem:s23+$0x0];
	v6 =	vmul.f32 $1.000000010e-01, v6  }
0x225: {  	v3 =	vld [tilespmem:s23+$0x10];
	v1 =	vmul.f32 $1.000000010e-01, v11  }
0x226: {  	s1 =	sadd.s32 $0x800, s1;
	v11 =	vadd.f32 v10, v12;
	v10 =	vld [tilespmem:s23+$0x20]  }
0x227: {  	v12 =	vld [tilespmem:s23+$0xFFFFFFC0];
	v7 =	vadd.f32 v9, v7  }
0x228: {  	[tilespmem:s4+$0xE410] =	vst v11;
	v2 =	vadd.f32 v8, v2  }
0x229: {  	[tilespmem:s4+$0xE420] =	vst v7;
	v4 =	vadd.f32 v5, v4  }
0x22a: {  	[tilespmem:s4+$0xE430] =	vst v2;
	v2 =	vadd.f32 v6, v3  }
0x22b: {  	[tilespmem:s4+$0xE440] =	vst v4;
	v1 =	vadd.f32 v1, v10  }
0x22c: {  	v0 =	vadd.f32 v0, v12;
	[tilespmem:s4+$0xE450] =	vst v2  }
0x22d: {  	s1 =	sshll.u32 s16, $0x8;
	[tilespmem:s4+$0xE460] =	vst v1  }
0x22e: {  	s16 =	simm.s32 @!p1 $0x6280;
	s1 =	sadd.s32 s3, s1;
	[tilespmem:s4+$0xE400] =	vst v0  }
0x22f: {  	[hbm4b:s1+s17] =	stream.strided.scatter [tilespmem:s2], [sflag:$0x7], $0x2000, s18, s17, $0x38;
	[tilespmem:$0x12280] =	vst v63  }
0x230: {  	s4 =	simm.s32 @!p1 $0x200;
	s1 =	sadd.s32 @!p1 s7, s15;
	s7 =	simm.s32 @!p1 $0x400  }
0x231: {  	[tilespmem:s16], [sflag:$0x3] =	stream.strided.gather @!p1 [hbm4b:s1+s4], $0x2000, s7, s4, $0x38;
	[tilespmem:$0x12280] =	vst v63  }
0x232: {  	_ =	swait.ge [sflag:s20], $0x2000  }
0x233: {  	[sflag:s20] =	ssyncset.done $0x0  }
0x234: {  	s1 =	simm.s32 @!p0 $0x8;
	[sflag:s20] =	ssyncadd.s32 $0xFFFFE000  }
0x235: {  	_ =	swait.ge @!p0 [sflag:s1], $0x2000  }
0x236: {  	[sflag:s1] =	ssyncset.done @!p0 $0x0  }
0x237: {  	s23 =	sshll.u32 s11, $0x2;
	[sflag:s1] =	ssyncadd.s32 @!p0 $0xFFFFE000  }
0x238: {  	v0 =	vld [tilespmem:s23+$0x2000];
	_ =	sdelay $0x4  }
0x239: {  	(v2sf) =	vpush v0, $0x0;
	_ =	sdelay $0xa  }
0x23a: {  	s4 =	simm.s32 $0x0  }
0x23b: {  	v1 =	vld [tilespmem:s4+$0x82F0]  }
0x23c: {  	v2 =	vld [tilespmem:s4+$0x8280]  }
0x23d: {  	v4 =	vld [tilespmem:s4+$0x8290]  }
0x23e: {  	v5 =	vld [tilespmem:s4+$0x82A0];
	s24 =	spop (v2sf)  }
0x23f: {  	v6 =	vld [tilespmem:s4+$0x82B0];
	s1 =	sshll.u32 s24, $0x2  }
0x240: {  	v8 =	vld [tilespmem:s4+$0x82C0];
	s1 =	sshra.s32 s1, $0x2  }
0x241: {  	v11 =	vld [tilespmem:s4+$0x82D0];
	s11 =	sadd.s32 $0x40, s1  }
0x242: {  	v3 =	vld [tilespmem:s11+$0x30]  }
0x243: {  	v12 =	vld [tilespmem:s4+$0x82E0]  }
0x244: {  	v13 =	vld [tilespmem:s11+$0xFFFFFFD0]  }
0x245: {  	v9 =	vmul.f32 $1.000000010e-01, v1;
	v7 =	vld [tilespmem:s11+$0xFFFFFFE0]  }
0x246: {  	v1 =	vmul.f32 $1.000000010e-01, v2;
	v2 =	vld [tilespmem:s11+$0xFFFFFFF0]  }
0x247: {  	v15 =	vmul.f32 $1.000000010e-01, v4;
	v10 =	vmul.f32 $1.000000010e-01, v5;
	v5 =	vld [tilespmem:s11+$0x0];
	v14 =	vadd.f32 v9, v3  }
0x248: {  	v4 =	vmul.f32 $1.000000010e-01, v12;
	v9 =	vmul.f32 $1.000000010e-01, v6;
	v3 =	vld [tilespmem:s11+$0x10]  }
0x249: {  	s7 =	sadd.s32 s5, s23;
	s16 =	simm.s32 $0x0;
	s1 =	simm.s32 $0x800;
	v6 =	vmul.f32 $1.000000010e-01, v8;
	v8 =	vmul.f32 $1.000000010e-01, v11;
	v12 =	vadd.f32 v15, v13;
	v11 =	vld [tilespmem:s11+$0x20];
	[tilespmem:s4+$0x102F0] =	vst v14  }
.LBB2_31:
0x24a: {  	s22 =	sshra.s32 s1, $0x2;
	s16 =	sadd.s32 $0x80, s16;
	v13 =	vld [tilespmem:s11+$0xFFFFFFC0];
	v7 =	vadd.f32 v10, v7  }
0x24b: {  	v10 =	vld [tilespmem:s22+$0x82F0];
	p0 =	slt.u32 s16, $0x780;
	[tilespmem:s4+$0x10290] =	vst v12;
	v2 =	vadd.f32 v9, v2  }
0x24c: {  	s11 =	sadd.s32 $0x80, s11;
	v9 =	vld [tilespmem:s22+$0x8280];
	[tilespmem:s4+$0x102A0] =	vst v7;
	v5 =	vadd.f32 v6, v5  }
0x24d: {  	v6 =	vld [tilespmem:s11+$0x30];
	[tilespmem:s4+$0x102B0] =	vst v2;
	v2 =	vadd.f32 v8, v3  }
0x24e: {  	v3 =	vld [tilespmem:s22+$0x8290];
	[tilespmem:s4+$0x102C0] =	vst v5;
	v4 =	vadd.f32 v4, v11  }
0x24f: {  	v5 =	vld [tilespmem:s22+$0x82A0];
	v7 =	vadd.f32 v1, v13;
	[tilespmem:s4+$0x102D0] =	vst v2  }
0x250: {  	v2 =	vld [tilespmem:s22+$0x82B0];
	v8 =	vmul.f32 $1.000000010e-01, v10;
	[tilespmem:s4+$0x102E0] =	vst v4  }
0x251: {  	v1 =	vmul.f32 $1.000000010e-01, v9;
	v4 =	vld [tilespmem:s22+$0x82C0];
	[tilespmem:s4+$0x10280] =	vst v7;
	s4 =	smov.u32 s22  }
0x252: {  	v11 =	vld [tilespmem:s4+$0x82D0];
	v6 =	vadd.f32 v8, v6  }
0x253: {  	v12 =	vmul.f32 $1.000000010e-01, v3;
	v13 =	vld [tilespmem:s4+$0x82E0]  }
0x254: {  	v14 =	vld [tilespmem:s11+$0xFFFFFFD0];
	v10 =	vmul.f32 $1.000000010e-01, v5;
	[tilespmem:s4+$0x102F0] =	vst v6  }
.Ltmp15:
0x255: {  	v7 =	vld [tilespmem:s11+$0xFFFFFFE0];
	v9 =	vmul.f32 $1.000000010e-01, v2;
	(pc) =	sbr.rel @p0 .LBB2_31-.Ltmp15, $4  }
0x256: {  	v2 =	vld [tilespmem:s11+$0xFFFFFFF0];
	v6 =	vmul.f32 $1.000000010e-01, v4  }
0x257: {  	v5 =	vld [tilespmem:s11+$0x0];
	v8 =	vmul.f32 $1.000000010e-01, v11  }
0x258: {  	v3 =	vld [tilespmem:s11+$0x10];
	v4 =	vmul.f32 $1.000000010e-01, v13  }
0x259: {  	s1 =	sadd.s32 $0x800, s1;
	v12 =	vadd.f32 v12, v14;
	v11 =	vld [tilespmem:s11+$0x20]  }
0x25a: {  	(v2sf) =	vpush v0, $0x1;
	_ =	sdelay $0x3  }
0x25b: {  	v13 =	vld [tilespmem:s11+$0xFFFFFFC0];
	v7 =	vadd.f32 v10, v7  }
0x25c: {  	[tilespmem:s4+$0x10290] =	vst v12;
	v2 =	vadd.f32 v9, v2  }
0x25d: {  	[tilespmem:s4+$0x102A0] =	vst v7;
	v5 =	vadd.f32 v6, v5  }
0x25e: {  	[tilespmem:s4+$0x102B0] =	vst v2;
	v2 =	vadd.f32 v8, v3  }
0x25f: {  	[tilespmem:s4+$0x102C0] =	vst v5;
	v3 =	vadd.f32 v4, v11  }
0x260: {  	v1 =	vadd.f32 v1, v13;
	[tilespmem:s4+$0x102D0] =	vst v2  }
0x261: {  	[tilespmem:s4+$0x102E0] =	vst v3  }
0x262: {  	[tilespmem:s4+$0x10280] =	vst v1;
	s4 =	simm.s32 $0x0  }
0x263: {  	v1 =	vld [tilespmem:s4+$0x8370]  }
0x264: {  	v2 =	vld [tilespmem:s4+$0x8300]  }
0x265: {  	v5 =	vld [tilespmem:s4+$0x8310]  }
0x266: {  	v6 =	vld [tilespmem:s4+$0x8320];
	s1 =	spop (v2sf)  }
0x267: {  	v7 =	vld [tilespmem:s4+$0x8330];
	s1 =	sshll.u32 s1, $0x2  }
0x268: {  	v11 =	vld [tilespmem:s4+$0x8340];
	s1 =	sshra.s32 s1, $0x2  }
0x269: {  	v12 =	vld [tilespmem:s4+$0x8350];
	s11 =	sadd.s32 $0x40, s1  }
0x26a: {  	v4 =	vld [tilespmem:s11+$0x30]  }
0x26b: {  	v13 =	vld [tilespmem:s4+$0x8360]  }
0x26c: {  	v14 =	vld [tilespmem:s11+$0xFFFFFFD0]  }
0x26d: {  	v9 =	vmul.f32 $1.000000010e-01, v1;
	v8 =	vld [tilespmem:s11+$0xFFFFFFE0]  }
0x26e: {  	v1 =	vmul.f32 $1.000000010e-01, v2;
	v3 =	vld [tilespmem:s11+$0xFFFFFFF0]  }
0x26f: {  	v15 =	vmul.f32 $1.000000010e-01, v5;
	v10 =	vmul.f32 $1.000000010e-01, v6;
	v5 =	vld [tilespmem:s11+$0x0];
	v2 =	vadd.f32 v9, v4  }
0x270: {  	v6 =	vmul.f32 $1.000000010e-01, v11;
	v9 =	vmul.f32 $1.000000010e-01, v7;
	v4 =	vld [tilespmem:s11+$0x10]  }
0x271: {  	s16 =	simm.s32 $0x0;
	s1 =	simm.s32 $0x800;
	v11 =	vld [tilespmem:s11+$0x20];
	v7 =	vmul.f32 $1.000000010e-01, v12;
	v12 =	vadd.f32 v15, v14;
	[tilespmem:s4+$0x10370] =	vst v2;
	v2 =	vmul.f32 $1.000000010e-01, v13  }
.LBB2_33:
0x272: {  	s22 =	sshra.s32 s1, $0x2;
	s16 =	sadd.s32 $0x80, s16;
	v13 =	vld [tilespmem:s11+$0xFFFFFFC0];
	v8 =	vadd.f32 v10, v8  }
0x273: {  	v10 =	vld [tilespmem:s22+$0x8370];
	p0 =	slt.u32 s16, $0x780;
	[tilespmem:s4+$0x10310] =	vst v12;
	v3 =	vadd.f32 v9, v3  }
0x274: {  	s11 =	sadd.s32 $0x80, s11;
	v9 =	vld [tilespmem:s22+$0x8300];
	[tilespmem:s4+$0x10320] =	vst v8;
	v5 =	vadd.f32 v6, v5  }
0x275: {  	v6 =	vld [tilespmem:s11+$0x30];
	[tilespmem:s4+$0x10330] =	vst v3;
	v3 =	vadd.f32 v7, v4  }
0x276: {  	v4 =	vld [tilespmem:s22+$0x8310];
	[tilespmem:s4+$0x10340] =	vst v5;
	v2 =	vadd.f32 v2, v11  }
0x277: {  	v5 =	vld [tilespmem:s22+$0x8320];
	v7 =	vadd.f32 v1, v13;
	[tilespmem:s4+$0x10350] =	vst v3  }
0x278: {  	v3 =	vld [tilespmem:s22+$0x8330];
	v8 =	vmul.f32 $1.000000010e-01, v10;
	[tilespmem:s4+$0x10360] =	vst v2  }
0x279: {  	v1 =	vmul.f32 $1.000000010e-01, v9;
	v2 =	vld [tilespmem:s22+$0x8340];
	[tilespmem:s4+$0x10300] =	vst v7;
	s4 =	smov.u32 s22  }
0x27a: {  	v7 =	vld [tilespmem:s4+$0x8350];
	v6 =	vadd.f32 v8, v6  }
0x27b: {  	v11 =	vmul.f32 $1.000000010e-01, v4;
	v12 =	vld [tilespmem:s4+$0x8360]  }
0x27c: {  	v13 =	vld [tilespmem:s11+$0xFFFFFFD0];
	v10 =	vmul.f32 $1.000000010e-01, v5;
	[tilespmem:s4+$0x10370] =	vst v6  }
.Ltmp16:
0x27d: {  	v8 =	vld [tilespmem:s11+$0xFFFFFFE0];
	v9 =	vmul.f32 $1.000000010e-01, v3;
	(pc) =	sbr.rel @p0 .LBB2_33-.Ltmp16, $4  }
0x27e: {  	v3 =	vld [tilespmem:s11+$0xFFFFFFF0];
	v6 =	vmul.f32 $1.000000010e-01, v2  }
0x27f: {  	v5 =	vld [tilespmem:s11+$0x0];
	v7 =	vmul.f32 $1.000000010e-01, v7  }
0x280: {  	v4 =	vld [tilespmem:s11+$0x10];
	v2 =	vmul.f32 $1.000000010e-01, v12  }
0x281: {  	s1 =	sadd.s32 $0x800, s1;
	v12 =	vadd.f32 v11, v13;
	v11 =	vld [tilespmem:s11+$0x20]  }
0x282: {  	(v2sf) =	vpush v0, $0x2;
	_ =	sdelay $0x3  }
0x283: {  	v13 =	vld [tilespmem:s11+$0xFFFFFFC0];
	v8 =	vadd.f32 v10, v8  }
0x284: {  	[tilespmem:s4+$0x10310] =	vst v12;
	v3 =	vadd.f32 v9, v3  }
0x285: {  	[tilespmem:s4+$0x10320] =	vst v8;
	v5 =	vadd.f32 v6, v5  }
0x286: {  	[tilespmem:s4+$0x10330] =	vst v3;
	v3 =	vadd.f32 v7, v4  }
0x287: {  	[tilespmem:s4+$0x10340] =	vst v5;
	v2 =	vadd.f32 v2, v11  }
0x288: {  	v1 =	vadd.f32 v1, v13;
	[tilespmem:s4+$0x10350] =	vst v3  }
0x289: {  	[tilespmem:s4+$0x10360] =	vst v2  }
0x28a: {  	[tilespmem:s4+$0x10300] =	vst v1;
	s4 =	simm.s32 $0x0  }
0x28b: {  	v1 =	vld [tilespmem:s4+$0x83F0]  }
0x28c: {  	v2 =	vld [tilespmem:s4+$0x8380]  }
0x28d: {  	v5 =	vld [tilespmem:s4+$0x8390]  }
0x28e: {  	v6 =	vld [tilespmem:s4+$0x83A0];
	s1 =	spop (v2sf)  }
0x28f: {  	v7 =	vld [tilespmem:s4+$0x83B0];
	s1 =	sshll.u32 s1, $0x2  }
0x290: {  	v11 =	vld [tilespmem:s4+$0x83C0];
	s1 =	sshra.s32 s1, $0x2  }
0x291: {  	v12 =	vld [tilespmem:s4+$0x83D0];
	s11 =	sadd.s32 $0x40, s1  }
0x292: {  	v4 =	vld [tilespmem:s11+$0x30]  }
0x293: {  	v13 =	vld [tilespmem:s4+$0x83E0]  }
0x294: {  	v14 =	vld [tilespmem:s11+$0xFFFFFFD0]  }
0x295: {  	v9 =	vmul.f32 $1.000000010e-01, v1;
	v8 =	vld [tilespmem:s11+$0xFFFFFFE0]  }
0x296: {  	v1 =	vmul.f32 $1.000000010e-01, v2;
	v3 =	vld [tilespmem:s11+$0xFFFFFFF0]  }
0x297: {  	v15 =	vmul.f32 $1.000000010e-01, v5;
	v10 =	vmul.f32 $1.000000010e-01, v6;
	v5 =	vld [tilespmem:s11+$0x0];
	v2 =	vadd.f32 v9, v4  }
0x298: {  	v6 =	vmul.f32 $1.000000010e-01, v11;
	v9 =	vmul.f32 $1.000000010e-01, v7;
	v4 =	vld [tilespmem:s11+$0x10]  }
0x299: {  	s16 =	simm.s32 $0x0;
	s1 =	simm.s32 $0x800;
	v11 =	vld [tilespmem:s11+$0x20];
	v7 =	vmul.f32 $1.000000010e-01, v12;
	v12 =	vadd.f32 v15, v14;
	[tilespmem:s4+$0x103F0] =	vst v2;
	v2 =	vmul.f32 $1.000000010e-01, v13  }
.LBB2_35:
0x29a: {  	s22 =	sshra.s32 s1, $0x2;
	s16 =	sadd.s32 $0x80, s16;
	v13 =	vld [tilespmem:s11+$0xFFFFFFC0];
	v8 =	vadd.f32 v10, v8  }
0x29b: {  	v10 =	vld [tilespmem:s22+$0x83F0];
	p0 =	slt.u32 s16, $0x780;
	[tilespmem:s4+$0x10390] =	vst v12;
	v3 =	vadd.f32 v9, v3  }
0x29c: {  	s11 =	sadd.s32 $0x80, s11;
	v9 =	vld [tilespmem:s22+$0x8380];
	[tilespmem:s4+$0x103A0] =	vst v8;
	v5 =	vadd.f32 v6, v5  }
0x29d: {  	v6 =	vld [tilespmem:s11+$0x30];
	[tilespmem:s4+$0x103B0] =	vst v3;
	v3 =	vadd.f32 v7, v4  }
0x29e: {  	v4 =	vld [tilespmem:s22+$0x8390];
	[tilespmem:s4+$0x103C0] =	vst v5;
	v2 =	vadd.f32 v2, v11  }
0x29f: {  	v5 =	vld [tilespmem:s22+$0x83A0];
	v7 =	vadd.f32 v1, v13;
	[tilespmem:s4+$0x103D0] =	vst v3  }
0x2a0: {  	v3 =	vld [tilespmem:s22+$0x83B0];
	v8 =	vmul.f32 $1.000000010e-01, v10;
	[tilespmem:s4+$0x103E0] =	vst v2  }
0x2a1: {  	v1 =	vmul.f32 $1.000000010e-01, v9;
	v2 =	vld [tilespmem:s22+$0x83C0];
	[tilespmem:s4+$0x10380] =	vst v7;
	s4 =	smov.u32 s22  }
0x2a2: {  	v7 =	vld [tilespmem:s4+$0x83D0];
	v6 =	vadd.f32 v8, v6  }
0x2a3: {  	v11 =	vmul.f32 $1.000000010e-01, v4;
	v12 =	vld [tilespmem:s4+$0x83E0]  }
0x2a4: {  	v13 =	vld [tilespmem:s11+$0xFFFFFFD0];
	v10 =	vmul.f32 $1.000000010e-01, v5;
	[tilespmem:s4+$0x103F0] =	vst v6  }
.Ltmp17:
0x2a5: {  	v8 =	vld [tilespmem:s11+$0xFFFFFFE0];
	v9 =	vmul.f32 $1.000000010e-01, v3;
	(pc) =	sbr.rel @p0 .LBB2_35-.Ltmp17, $4  }
0x2a6: {  	v3 =	vld [tilespmem:s11+$0xFFFFFFF0];
	v6 =	vmul.f32 $1.000000010e-01, v2  }
0x2a7: {  	v5 =	vld [tilespmem:s11+$0x0];
	v7 =	vmul.f32 $1.000000010e-01, v7  }
0x2a8: {  	v4 =	vld [tilespmem:s11+$0x10];
	v2 =	vmul.f32 $1.000000010e-01, v12  }
0x2a9: {  	s1 =	sadd.s32 $0x800, s1;
	v12 =	vadd.f32 v11, v13;
	v11 =	vld [tilespmem:s11+$0x20]  }
0x2aa: {  	(v2sf) =	vpush v0, $0x3;
	_ =	sdelay $0x3  }
0x2ab: {  	v0 =	vld [tilespmem:s11+$0xFFFFFFC0];
	v8 =	vadd.f32 v10, v8  }
0x2ac: {  	[tilespmem:s4+$0x10390] =	vst v12;
	v3 =	vadd.f32 v9, v3  }
0x2ad: {  	[tilespmem:s4+$0x103A0] =	vst v8;
	v5 =	vadd.f32 v6, v5  }
0x2ae: {  	[tilespmem:s4+$0x103B0] =	vst v3;
	v3 =	vadd.f32 v7, v4  }
0x2af: {  	[tilespmem:s4+$0x103C0] =	vst v5;
	v2 =	vadd.f32 v2, v11  }
0x2b0: {  	v0 =	vadd.f32 v1, v0;
	[tilespmem:s4+$0x103D0] =	vst v3  }
0x2b1: {  	[tilespmem:s4+$0x103E0] =	vst v2  }
0x2b2: {  	[tilespmem:s4+$0x10380] =	vst v0;
	s4 =	simm.s32 $0x0  }
0x2b3: {  	v0 =	vld [tilespmem:s4+$0x8470]  }
0x2b4: {  	v1 =	vld [tilespmem:s4+$0x8400]  }
0x2b5: {  	v4 =	vld [tilespmem:s4+$0x8410]  }
0x2b6: {  	v5 =	vld [tilespmem:s4+$0x8420];
	s1 =	spop (v2sf)  }
0x2b7: {  	v6 =	vld [tilespmem:s4+$0x8430];
	s1 =	sshll.u32 s1, $0x2  }
0x2b8: {  	v10 =	vld [tilespmem:s4+$0x8440];
	s1 =	sshra.s32 s1, $0x2  }
0x2b9: {  	v11 =	vld [tilespmem:s4+$0x8450];
	s11 =	sadd.s32 $0x40, s1  }
0x2ba: {  	v3 =	vld [tilespmem:s11+$0x30]  }
0x2bb: {  	v12 =	vld [tilespmem:s4+$0x8460]  }
0x2bc: {  	v13 =	vld [tilespmem:s11+$0xFFFFFFD0]  }
0x2bd: {  	v8 =	vmul.f32 $1.000000010e-01, v0;
	v7 =	vld [tilespmem:s11+$0xFFFFFFE0]  }
0x2be: {  	v0 =	vmul.f32 $1.000000010e-01, v1;
	v2 =	vld [tilespmem:s11+$0xFFFFFFF0]  }
0x2bf: {  	v14 =	vmul.f32 $1.000000010e-01, v4;
	v9 =	vmul.f32 $1.000000010e-01, v5;
	v4 =	vld [tilespmem:s11+$0x0];
	v1 =	vadd.f32 v8, v3  }
0x2c0: {  	v5 =	vmul.f32 $1.000000010e-01, v10;
	v8 =	vmul.f32 $1.000000010e-01, v6;
	v3 =	vld [tilespmem:s11+$0x10]  }
0x2c1: {  	s16 =	simm.s32 $0x0;
	s1 =	simm.s32 $0x800;
	v10 =	vld [tilespmem:s11+$0x20];
	v6 =	vmul.f32 $1.000000010e-01, v11;
	v11 =	vadd.f32 v14, v13;
	[tilespmem:s4+$0x10470] =	vst v1;
	v1 =	vmul.f32 $1.000000010e-01, v12  }
.LBB2_37:
0x2c2: {  	s22 =	sshra.s32 s1, $0x2;
	s16 =	sadd.s32 $0x80, s16;
	v12 =	vld [tilespmem:s11+$0xFFFFFFC0];
	v7 =	vadd.f32 v9, v7  }
0x2c3: {  	v9 =	vld [tilespmem:s22+$0x8470];
	p0 =	slt.u32 s16, $0x780;
	[tilespmem:s4+$0x10410] =	vst v11;
	v2 =	vadd.f32 v8, v2  }
0x2c4: {  	s11 =	sadd.s32 $0x80, s11;
	v8 =	vld [tilespmem:s22+$0x8400];
	[tilespmem:s4+$0x10420] =	vst v7;
	v4 =	vadd.f32 v5, v4  }
0x2c5: {  	v5 =	vld [tilespmem:s11+$0x30];
	[tilespmem:s4+$0x10430] =	vst v2;
	v2 =	vadd.f32 v6, v3  }
0x2c6: {  	v3 =	vld [tilespmem:s22+$0x8410];
	[tilespmem:s4+$0x10440] =	vst v4;
	v1 =	vadd.f32 v1, v10  }
0x2c7: {  	v4 =	vld [tilespmem:s22+$0x8420];
	v6 =	vadd.f32 v0, v12;
	[tilespmem:s4+$0x10450] =	vst v2  }
0x2c8: {  	v2 =	vld [tilespmem:s22+$0x8430];
	v7 =	vmul.f32 $1.000000010e-01, v9;
	[tilespmem:s4+$0x10460] =	vst v1  }
0x2c9: {  	v0 =	vmul.f32 $1.000000010e-01, v8;
	v1 =	vld [tilespmem:s22+$0x8440];
	[tilespmem:s4+$0x10400] =	vst v6;
	s4 =	smov.u32 s22  }
0x2ca: {  	v6 =	vld [tilespmem:s4+$0x8450];
	v5 =	vadd.f32 v7, v5  }
0x2cb: {  	v10 =	vmul.f32 $1.000000010e-01, v3;
	v11 =	vld [tilespmem:s4+$0x8460]  }
0x2cc: {  	v12 =	vld [tilespmem:s11+$0xFFFFFFD0];
	v9 =	vmul.f32 $1.000000010e-01, v4;
	[tilespmem:s4+$0x10470] =	vst v5  }
.Ltmp18:
0x2cd: {  	v7 =	vld [tilespmem:s11+$0xFFFFFFE0];
	v8 =	vmul.f32 $1.000000010e-01, v2;
	(pc) =	sbr.rel @p0 .LBB2_37-.Ltmp18, $4  }
0x2ce: {  	v2 =	vld [tilespmem:s11+$0xFFFFFFF0];
	v5 =	vmul.f32 $1.000000010e-01, v1  }
0x2cf: {  	v4 =	vld [tilespmem:s11+$0x0];
	v6 =	vmul.f32 $1.000000010e-01, v6  }
0x2d0: {  	v3 =	vld [tilespmem:s11+$0x10];
	v1 =	vmul.f32 $1.000000010e-01, v11  }
0x2d1: {  	s1 =	sadd.s32 $0x800, s1;
	v11 =	vadd.f32 v10, v12;
	v10 =	vld [tilespmem:s11+$0x20]  }
0x2d2: {  	v12 =	vld [tilespmem:s11+$0xFFFFFFC0];
	v7 =	vadd.f32 v9, v7  }
0x2d3: {  	[tilespmem:s4+$0x10410] =	vst v11;
	v2 =	vadd.f32 v8, v2  }
0x2d4: {  	s10 =	sadd.s32 $0x1, s10;
	[tilespmem:s4+$0x10420] =	vst v7;
	v4 =	vadd.f32 v5, v4  }
0x2d5: {  	p0 =	sne.s32 s10, $0x20;
	[tilespmem:s4+$0x10430] =	vst v2;
	v63 =	vadd.f32 v6, v3  }
.Ltmp19:
0x2d6: {  	[tilespmem:s4+$0x10440] =	vst v4;
	v1 =	vadd.f32 v1, v10;
	(pc) =	sbr.rel @p0 .LBB2_2-.Ltmp19, $4  }
0x2d7: {  	s1 =	sshll.u32 s7, $0x8;
	v0 =	vadd.f32 v0, v12;
	[tilespmem:s4+$0x10450] =	vst v63  }
0x2d8: {  	s1 =	sand.u32 $0x1FFFF800, s1;
	[tilespmem:s4+$0x10460] =	vst v1  }
0x2d9: {  	s1 =	sadd.s32 s1, s13;
	[tilespmem:s4+$0x10400] =	vst v0  }
0x2da: {  	[hbm4b:s1+s17] =	stream.strided.scatter [tilespmem:s21], [sflag:$0x8], $0x2000, s18, s17, $0x38;
	[tilespmem:$0x12280] =	vst v63  }
0x2db: {  	s1 =	simm.s32 $0x5  }
0x2dc: {  	_ =	swait.ge [sflag:s1], $0x2000  }
0x2dd: {  	[sflag:s1] =	ssyncset.done $0x0  }
0x2de: {  	[sflag:s1] =	ssyncadd.s32 $0xFFFFE000  }
0x2df: {  	_ =	swait.ge [sflag:s30], $0x2000  }
0x2e0: {  	[sflag:s30] =	ssyncset.done $0x0  }
0x2e1: {  	s23 =	simm.s32 $0x7;
	[sflag:s30] =	ssyncadd.s32 $0xFFFFE000  }
0x2e2: {  	_ =	swait.ge [sflag:s23], $0x2000  }
0x2e3: {  	[sflag:s23] =	ssyncset.done $0x0  }
0x2e4: {  	s4 =	simm.s32 $0x8;
	[sflag:s23] =	ssyncadd.s32 $0xFFFFE000  }
0x2e5: {  	_ =	swait.ge [sflag:s4], $0x2000  }
0x2e6: {  	s9 =	sadd.s32 $0x1, s9;
	s24 =	rddreg [dreg:$0x9]  }
0x2e7: {  	p0 =	sne.s32 s9, s24  }
.Ltmp20:
0x2e8: {  	_ = 	snop;
	(pc) =	sbr.rel @p0 .LBB2_1-.Ltmp20, $3  }
0x2e9: {  	_ =	sdelay $0x1  }
0x2ea: {  	[sflag:s4] =	ssyncset.done $0x0  }
0x2eb: {  	[sflag:s4] =	ssyncadd.s32 $0xFFFFE000  }
0x2ec: {  	_ =	sfence.sel $0x180000  }
0x2ed: {  	[bflag:$0x0] =	sbarrier.arrive $0xFFFF  }
0x2ee: {  	_ =	strace $0x90000047  }
0x2ef: {  	s0 =	stileid.u32;
	[bflag:$0x2] =	sbarrier.arrive $0xFFFF  }
0x2f0: {  	p0 =	sne.s32 s0, $0x0;
	s0 =	rddreg [dreg:$0x4]  }
0x2f1: {  	s0 =	sadd.s32 @!p0 $0x100000, s0  }
0x2f2: {  	[sflag:s0] =	ssyncadd.tile.s32 @!p0 $0x1;
	_ =	shalt  }
.Lfunc_end2:
_tile_overlayer_lowered:
.L_overlay_start_2:
0x2f3: {  	(tag) =	ssettag $0x2  }
0x2f4: {  	s0 =	rddreg [dreg:$0x0];
	s2 =	stileid.u32  }
0x2f5: {  	s1 =	rddreg [dreg:$0x1];
	p0 =	sne.s32 s2, $0x0  }
0x2f6: {  	s3 =	rddreg [dreg:$0x2];
	[bflag:$0x3] =	sbarrier.arrive $0xFFFF;
	s2 =	simm.s32 @!p0 $0x1C09  }
0x2f7: {  	[timem:s3], [sflag:s2] =	dma.local @!p0 [hbm:s0], s1  }
0x2f8: {  	s0 =	simm.s32 @!p0 $0x9  }
0x2f9: {  	_ =	swait.ge @!p0 [sflag:s0], s1  }
0x2fa: {  	s1 =	ssub.s32 @!p0 $0x0, s1;
	[sflag:s0] =	ssyncset.done @!p0 $0x0  }
0x2fb: {  	[sflag:s0] =	ssyncadd.s32 @!p0 s1  }
0x2fc: {  	[bflag:$0x3] =	sbarrier.arrive $0xFFFF  }
0x2fd: {  	_ =	shalt  }

</sc_bundles>
